<compile_context>
chip_gen: v7x
topology: tpu7x:2x2x1
jax: 0.10.2.dev20260603
libtpu: 0.0.44.dev20260713+nightly
codegen_flags: <defaults>
</compile_context>

<pallas_src>
import functools

import jax
import jax.numpy as jnp
from jax import lax
from jax.experimental import pallas as pl
from jax.experimental.pallas import tpu as pltpu
from jax.experimental.pallas import tpu_sc as plsc

S = 50
V = 39
D = 32
L = 16
CHUNK = 800
NBUF = 2


@functools.lru_cache(maxsize=None)
def _build(n_tokens: int):
    mesh = plsc.VectorSubcoreMesh(core_axis_name="c", subcore_axis_name="s")
    nc, ns = mesh.num_cores, mesh.num_subcores
    nw = nc * ns
    assert n_tokens % (nw * CHUNK) == 0
    b_per_w = n_tokens // nw
    n_chunks = b_per_w // CHUNK

    def body(x_hbm, ft_hbm, out_hbm, idx_v, rows_v, ft_v,
             in_sems, out_sems):
        wid = lax.axis_index("s") * nc + lax.axis_index("c")
        base = wid * b_per_w
        iota = lax.iota(jnp.int32, L)
        iota_d = iota * D

        def start_in(i):
            slot = lax.rem(i, NBUF)
            pltpu.async_copy(
                x_hbm.at[pl.ds(base + i * CHUNK, CHUNK)],
                idx_v.at[slot], in_sems.at[slot])

        pltpu.sync_copy(ft_hbm, ft_v)
        for b in range(min(NBUF, n_chunks)):
            start_in(b)

        def chunk_step(i, _):
            slot = lax.rem(i, NBUF)
            off = base + i * CHUNK
            pltpu.make_async_copy(
                x_hbm.at[pl.ds(off, CHUNK)], idx_v.at[slot],
                in_sems.at[slot]).wait()
            @pl.when(i >= NBUF)
            def _():
                pltpu.make_async_copy(
                    rows_v.at[slot],
                    out_hbm.at[pl.ds((base + (i - NBUF) * CHUNK) * D,
                                     CHUNK * D)],
                    out_sems.at[slot]).wait()

            @plsc.parallel_loop(0, CHUNK // L, step=1, unroll=2)
            def _(g):
                x_vec = idx_v[slot, pl.ds(g * L, L)]
                pos = lax.rem(off + g * L + iota, S)
                a_vec = (x_vec + pos * V) * D
                dst = iota_d + g * (L * D)
                for d in range(D):
                    dv = jnp.bitwise_and(iota + d, D - 1)
                    val = plsc.load_gather(ft_v, [a_vec + dv])
                    plsc.store_scatter(rows_v.at[slot], [dst + dv], val)
            @pl.when(i + NBUF < n_chunks)
            def _():
                start_in(i + NBUF)
            pltpu.async_copy(rows_v.at[slot],
                             out_hbm.at[pl.ds(off * D, CHUNK * D)],
                             out_sems.at[slot])
            return ()

        lax.fori_loop(0, n_chunks, chunk_step, ())
        for b in range(min(NBUF, n_chunks)):
            i = n_chunks - min(NBUF, n_chunks) + b
            slot = lax.rem(jnp.int32(i), NBUF)
            pltpu.make_async_copy(
                rows_v.at[slot],
                out_hbm.at[pl.ds((base + i * CHUNK) * D, CHUNK * D)],
                out_sems.at[slot]).wait()

    run = pl.kernel(
        body,
        out_type=jax.ShapeDtypeStruct((n_tokens * D,), jnp.float32),
        mesh=mesh,
        scratch_types=[
            pltpu.VMEM((NBUF, CHUNK), jnp.int32),
            pltpu.VMEM((NBUF, CHUNK * D), jnp.float32),
            pltpu.VMEM((S * V * D,), jnp.float32),
            pltpu.SemaphoreType.DMA((NBUF,)),
            pltpu.SemaphoreType.DMA((NBUF,)),
        ],
        compiler_params=pltpu.CompilerParams(
            use_tc_tiling_on_sc=False, needs_layout_passes=False,
            disable_bounds_checks=True),
    )
    return run


def kernel(x, table, pe):
    b, s = x.shape
    ft = (pe[0][:, None, :] + table[None, :, :]).reshape(S * V * D)
    out = _build(b * s)(x.reshape(-1), ft)
    return out.reshape(b, s, D)

# --- scband reference (transcript-rebuilt; emitter-appended) ---
"""Pipeline reference for scband-position-embedding-25494925869368 (READ-ONLY COPY).

The authoritative reference and input builder live on the scoring server;
editing this copy changes nothing except your own understanding.
"""

import jax, jax.numpy as jnp
import numpy as np
import math


def _make_pe():
    # Faithful reproduction of the torch loop: pe[i,j] = sin(i/10000**(j/32)) if j even else cos(...)
    pos = np.arange(50, dtype=np.float64)[:, None]
    i = np.arange(32, dtype=np.float64)[None, :]
    angle = pos / (10000.0 ** (i / 32.0))
    pe = np.where((np.arange(32)[None, :] % 2) == 0, np.sin(angle), np.cos(angle))
    return jnp.asarray(pe, dtype=jnp.float32)[None, :, :]  # [1, 50, 32]


def setup_inputs(seed: int = 0) -> dict:
    key = jax.random.key(seed)
    k1, k2 = jax.random.split(key)
    # indices into the 39-row embedding table; sequence length must be 50 to match pe
    x = jax.random.randint(k1, (16384, 50), 0, 39, dtype=jnp.int32)
    # embedding table ~ N(0, 0.1) as in weight.data.normal_(0, 0.1)
    table = jax.random.normal(k2, (39, 32), dtype=jnp.float32) * 0.1
    pe = _make_pe()
    return {"x": x, "table": table, "pe": pe}


def reference(x, table, pe):
    embed = jnp.take(table, x, axis=0)  # [B, 50, 32]
    return embed + pe  # broadcast over batch

if __name__ == "__main__":
    import jax
    _d = setup_inputs()
    print(jax.jit(kernel)(*tuple(_d.values())))

</pallas_src>

<mosaic_0001>
#map = affine_map<(d0, d1) -> (0)>
module attributes {stable_mosaic.version = 14 : i64} {
  func.func @body(%arg0: i32, %arg1: i32, %arg2: memref<819200xi32, #tpu.memory_space<hbm>>, %arg3: memref<62400xf32, #tpu.memory_space<hbm>>, %arg4: memref<26214400xf32, #tpu.memory_space<hbm>>, %arg5: memref<2x800xi32, #tpu.memory_space<vmem>>, %arg6: memref<2x25600xf32, #tpu.memory_space<vmem>>, %arg7: memref<62400xf32, #tpu.memory_space<vmem>>, %arg8: memref<2x!tpu.dma_semaphore, #tpu.memory_space<semaphore_mem>>, %arg9: memref<2x!tpu.dma_semaphore, #tpu.memory_space<semaphore_mem>>) attributes {dimension_semantics = [#tpu.dimension_semantics<core_parallel>, #tpu.dimension_semantics<subcore_parallel>], iteration_bounds = array<i64: 2, 16>, scalar_prefetch = 0 : i64, scratch_operands = 5 : i64, tpu.core_type = #tpu.core_type<sc_vector_subcore>, window_params = [{transform_indices = #map}, {transform_indices = #map}, {transform_indices = #map}]} {
    %mul3A = arith.constant 2 : i32
    %mul3A_0 = arith.muli %arg1, %mul3A : i32
    %add3A = arith.addi %mul3A_0, %arg0 : i32
    %mul3A_1 = arith.constant 25600 : i32
    %mul3A_2 = arith.muli %add3A, %mul3A_1 : i32
    %iota3A = tpu.iota {dimensions = array<i32: 0>} : vector<16xi32>
    %mul3A_3 = arith.constant 32 : i32
    %mul3A_4 = vector.broadcast %mul3A_3 : i32 to vector<16xi32>
    %mul3A_5 = arith.muli %iota3A, %mul3A_4 : vector<16xi32>
    "tpu.region"() ({
      %run_scoped3A = tpu.sem_alloc : memref<!tpu.dma_semaphore, #tpu.memory_space<semaphore_mem>>
      tpu.enqueue_dma source(%arg3 : memref<62400xf32, #tpu.memory_space<hbm>>) target(%arg7 : memref<62400xf32, #tpu.memory_space<vmem>>) target_semaphore(%run_scoped3A : memref<!tpu.dma_semaphore, #tpu.memory_space<semaphore_mem>>)
      tpu.wait_dma2 semaphore(%run_scoped3A : memref<!tpu.dma_semaphore, #tpu.memory_space<semaphore_mem>>) src(%arg3 : memref<62400xf32, #tpu.memory_space<hbm>>) dst(%arg7 : memref<62400xf32, #tpu.memory_space<vmem>>)
      tpu.yield
    }) : () -> ()
    %rem3A = arith.constant 0 : i32
    %rem3A_6 = arith.constant 2 : i32
    %rem3A_7 = arith.remsi %rem3A, %rem3A_6 : i32
    %add3A_8 = arith.constant 0 : i32
    %add3A_9 = arith.addi %mul3A_2, %add3A_8 : i32
    %dma_start3A = arith.constant 0 : i32
    %dma_start3A_10 = tpu.memref_slice %arg5[%rem3A_7, %dma_start3A] : memref<2x800xi32, #tpu.memory_space<vmem>> -> memref<1x800xi32, #tpu.memory_space<vmem>>
    %dma_start3A_11 = tpu.memref_squeeze %dma_start3A_10 : memref<1x800xi32, #tpu.memory_space<vmem>> -> memref<800xi32, #tpu.memory_space<vmem>>
    %dma_start3A_12 = tpu.memref_slice %arg2[%add3A_9] : memref<819200xi32, #tpu.memory_space<hbm>> -> memref<800xi32, #tpu.memory_space<hbm>>
    %dma_start3A_13 = tpu.memref_slice %arg8[%rem3A_7] : memref<2x!tpu.dma_semaphore, #tpu.memory_space<semaphore_mem>> -> memref<1x!tpu.dma_semaphore, #tpu.memory_space<semaphore_mem>>
    %dma_start3A_14 = tpu.memref_squeeze %dma_start3A_13 : memref<1x!tpu.dma_semaphore, #tpu.memory_space<semaphore_mem>> -> memref<!tpu.dma_semaphore, #tpu.memory_space<semaphore_mem>>
    %dma_start3A_15 = arith.constant 0 : i32
    %dma_start3A_16 = tpu.memref_slice %arg5[%rem3A_7, %dma_start3A_15] : memref<2x800xi32, #tpu.memory_space<vmem>> -> memref<1x800xi32, #tpu.memory_space<vmem>>
    %dma_start3A_17 = tpu.memref_squeeze %dma_start3A_16 : memref<1x800xi32, #tpu.memory_space<vmem>> -> memref<800xi32, #tpu.memory_space<vmem>>
    %dma_start3A_18 = tpu.memref_slice %arg2[%add3A_9] : memref<819200xi32, #tpu.memory_space<hbm>> -> memref<800xi32, #tpu.memory_space<hbm>>
    tpu.enqueue_dma source(%dma_start3A_18 : memref<800xi32, #tpu.memory_space<hbm>>) target(%dma_start3A_17 : memref<800xi32, #tpu.memory_space<vmem>>) target_semaphore(%dma_start3A_14 : memref<!tpu.dma_semaphore, #tpu.memory_space<semaphore_mem>>)
    %rem3A_19 = arith.constant 1 : i32
    %rem3A_20 = arith.constant 2 : i32
    %rem3A_21 = arith.remsi %rem3A_19, %rem3A_20 : i32
    %add3A_22 = arith.constant 800 : i32
    %add3A_23 = arith.addi %mul3A_2, %add3A_22 : i32
    %dma_start3A_24 = arith.constant 0 : i32
    %dma_start3A_25 = tpu.memref_slice %arg5[%rem3A_21, %dma_start3A_24] : memref<2x800xi32, #tpu.memory_space<vmem>> -> memref<1x800xi32, #tpu.memory_space<vmem>>
    %dma_start3A_26 = tpu.memref_squeeze %dma_start3A_25 : memref<1x800xi32, #tpu.memory_space<vmem>> -> memref<800xi32, #tpu.memory_space<vmem>>
    %dma_start3A_27 = tpu.memref_slice %arg2[%add3A_23] : memref<819200xi32, #tpu.memory_space<hbm>> -> memref<800xi32, #tpu.memory_space<hbm>>
    %dma_start3A_28 = tpu.memref_slice %arg8[%rem3A_21] : memref<2x!tpu.dma_semaphore, #tpu.memory_space<semaphore_mem>> -> memref<1x!tpu.dma_semaphore, #tpu.memory_space<semaphore_mem>>
    %dma_start3A_29 = tpu.memref_squeeze %dma_start3A_28 : memref<1x!tpu.dma_semaphore, #tpu.memory_space<semaphore_mem>> -> memref<!tpu.dma_semaphore, #tpu.memory_space<semaphore_mem>>
    %dma_start3A_30 = arith.constant 0 : i32
    %dma_start3A_31 = tpu.memref_slice %arg5[%rem3A_21, %dma_start3A_30] : memref<2x800xi32, #tpu.memory_space<vmem>> -> memref<1x800xi32, #tpu.memory_space<vmem>>
    %dma_start3A_32 = tpu.memref_squeeze %dma_start3A_31 : memref<1x800xi32, #tpu.memory_space<vmem>> -> memref<800xi32, #tpu.memory_space<vmem>>
    %dma_start3A_33 = tpu.memref_slice %arg2[%add3A_23] : memref<819200xi32, #tpu.memory_space<hbm>> -> memref<800xi32, #tpu.memory_space<hbm>>
    tpu.enqueue_dma source(%dma_start3A_33 : memref<800xi32, #tpu.memory_space<hbm>>) target(%dma_start3A_32 : memref<800xi32, #tpu.memory_space<vmem>>) target_semaphore(%dma_start3A_29 : memref<!tpu.dma_semaphore, #tpu.memory_space<semaphore_mem>>)
    %scan3A = arith.constant 0 : i32
    %scan3A_34 = arith.constant 32 : i32
    %scan3A_35 = arith.addi %scan3A, %scan3A_34 : i32
    %scan3A_36 = arith.constant 1 : i32
    scf.for %scan3A_71 = %scan3A to %scan3A_35 step %scan3A_36  : i32 {
      %rem3A_72 = arith.constant 2 : i32
      %rem3A_73 = arith.remsi %scan3A_71, %rem3A_72 : i32
      %mul3A_74 = arith.constant 800 : i32
      %mul3A_75 = arith.muli %scan3A_71, %mul3A_74 : i32
      %add3A_76 = arith.addi %mul3A_2, %mul3A_75 : i32
      %dma_wait3A_77 = arith.constant 0 : i32
      %dma_wait3A_78 = tpu.memref_slice %arg5[%rem3A_73, %dma_wait3A_77] : memref<2x800xi32, #tpu.memory_space<vmem>> -> memref<1x800xi32, #tpu.memory_space<vmem>>
      %dma_wait3A_79 = tpu.memref_squeeze %dma_wait3A_78 : memref<1x800xi32, #tpu.memory_space<vmem>> -> memref<800xi32, #tpu.memory_space<vmem>>
      %dma_wait3A_80 = tpu.memref_slice %arg2[%add3A_76] : memref<819200xi32, #tpu.memory_space<hbm>> -> memref<800xi32, #tpu.memory_space<hbm>>
      %dma_wait3A_81 = tpu.memref_slice %arg8[%rem3A_73] : memref<2x!tpu.dma_semaphore, #tpu.memory_space<semaphore_mem>> -> memref<1x!tpu.dma_semaphore, #tpu.memory_space<semaphore_mem>>
      %dma_wait3A_82 = tpu.memref_squeeze %dma_wait3A_81 : memref<1x!tpu.dma_semaphore, #tpu.memory_space<semaphore_mem>> -> memref<!tpu.dma_semaphore, #tpu.memory_space<semaphore_mem>>
      %dma_wait3A_83 = arith.constant 0 : i32
      %dma_wait3A_84 = tpu.memref_slice %arg5[%rem3A_73, %dma_wait3A_83] : memref<2x800xi32, #tpu.memory_space<vmem>> -> memref<1x800xi32, #tpu.memory_space<vmem>>
      %dma_wait3A_85 = tpu.memref_squeeze %dma_wait3A_84 : memref<1x800xi32, #tpu.memory_space<vmem>> -> memref<800xi32, #tpu.memory_space<vmem>>
      %dma_wait3A_86 = tpu.memref_slice %arg2[%add3A_76] : memref<819200xi32, #tpu.memory_space<hbm>> -> memref<800xi32, #tpu.memory_space<hbm>>
      tpu.wait_dma2 semaphore(%dma_wait3A_82 : memref<!tpu.dma_semaphore, #tpu.memory_space<semaphore_mem>>) src(%dma_wait3A_86 : memref<800xi32, #tpu.memory_space<hbm>>) dst(%dma_wait3A_85 : memref<800xi32, #tpu.memory_space<vmem>>)
      %ge3A = arith.constant 2 : i32
      %ge3A_87 = arith.cmpi sge, %scan3A_71, %ge3A : i32
      %convert_element_type3A = arith.extui %ge3A_87 : i1 to i32
      %cond3A = arith.constant 0 : i32
      %cond3A_88 = arith.cmpi ne, %convert_element_type3A, %cond3A : i32
      scf.if %cond3A_88 {
        %sub3A = arith.constant 2 : i32
        %sub3A_109 = arith.subi %scan3A_71, %sub3A : i32
        %mul3A_110 = arith.constant 800 : i32
        %mul3A_111 = arith.muli %sub3A_109, %mul3A_110 : i32
        %add3A_112 = arith.addi %mul3A_2, %mul3A_111 : i32
        %mul3A_113 = arith.constant 32 : i32
        %mul3A_114 = arith.muli %add3A_112, %mul3A_113 : i32
        %dma_wait3A_115 = arith.constant 0 : i32
        %dma_wait3A_116 = tpu.memref_slice %arg6[%rem3A_73, %dma_wait3A_115] : memref<2x25600xf32, #tpu.memory_space<vmem>> -> memref<1x25600xf32, #tpu.memory_space<vmem>>
        %dma_wait3A_117 = tpu.memref_squeeze %dma_wait3A_116 : memref<1x25600xf32, #tpu.memory_space<vmem>> -> memref<25600xf32, #tpu.memory_space<vmem>>
        %dma_wait3A_118 = tpu.memref_slice %arg4[%mul3A_114] : memref<26214400xf32, #tpu.memory_space<hbm>> -> memref<25600xf32, #tpu.memory_space<hbm>>
        %dma_wait3A_119 = tpu.memref_slice %arg9[%rem3A_73] : memref<2x!tpu.dma_semaphore, #tpu.memory_space<semaphore_mem>> -> memref<1x!tpu.dma_semaphore, #tpu.memory_space<semaphore_mem>>
        %dma_wait3A_120 = tpu.memref_squeeze %dma_wait3A_119 : memref<1x!tpu.dma_semaphore, #tpu.memory_space<semaphore_mem>> -> memref<!tpu.dma_semaphore, #tpu.memory_space<semaphore_mem>>
        %dma_wait3A_121 = tpu.memref_slice %arg4[%mul3A_114] : memref<26214400xf32, #tpu.memory_space<hbm>> -> memref<25600xf32, #tpu.memory_space<hbm>>
        %dma_wait3A_122 = arith.constant 0 : i32
        %dma_wait3A_123 = tpu.memref_slice %arg6[%rem3A_73, %dma_wait3A_122] : memref<2x25600xf32, #tpu.memory_space<vmem>> -> memref<1x25600xf32, #tpu.memory_space<vmem>>
        %dma_wait3A_124 = tpu.memref_squeeze %dma_wait3A_123 : memref<1x25600xf32, #tpu.memory_space<vmem>> -> memref<25600xf32, #tpu.memory_space<vmem>>
        tpu.wait_dma2 semaphore(%dma_wait3A_120 : memref<!tpu.dma_semaphore, #tpu.memory_space<semaphore_mem>>) src(%dma_wait3A_124 : memref<25600xf32, #tpu.memory_space<vmem>>) dst(%dma_wait3A_121 : memref<25600xf32, #tpu.memory_space<hbm>>)
      } else {
      }
      %parallel_loop3A = arith.constant 0 : i32
      %parallel_loop3A_89 = arith.constant 50 : i32
      %parallel_loop3A_90 = arith.constant 1 : i32
      scf.for %parallel_loop3A_109 = %parallel_loop3A to %parallel_loop3A_89 step %parallel_loop3A_90  : i32 {
        %parallel_loop3A_110 = arith.constant 16 : i32
        %parallel_loop3A_111 = arith.muli %parallel_loop3A_109, %parallel_loop3A_110 : i32
        %parallel_loop3A_112 = arith.index_cast %rem3A_73 : i32 to index
        %parallel_loop3A_113 = arith.index_cast %parallel_loop3A_111 : i32 to index
        %parallel_loop3A_114 = tpu.vector_load %arg5[%parallel_loop3A_112, %parallel_loop3A_113] {strides = array<i32>} : memref<2x800xi32, #tpu.memory_space<vmem>>, vector<16xi32>,
        %parallel_loop3A_115 = arith.constant 16 : i32
        %parallel_loop3A_116 = arith.muli %parallel_loop3A_109, %parallel_loop3A_115 : i32
        %parallel_loop3A_117 = arith.addi %add3A_76, %parallel_loop3A_116 : i32
        %parallel_loop3A_118 = vector.broadcast %parallel_loop3A_117 : i32 to vector<16xi32>
        %parallel_loop3A_119 = arith.addi %parallel_loop3A_118, %iota3A : vector<16xi32>
        %parallel_loop3A_120 = arith.constant 50 : i32
        %parallel_loop3A_121 = vector.broadcast %parallel_loop3A_120 : i32 to vector<16xi32>
        %parallel_loop3A_122 = arith.remsi %parallel_loop3A_119, %parallel_loop3A_121 : vector<16xi32>
        %parallel_loop3A_123 = arith.constant 39 : i32
        %parallel_loop3A_124 = vector.broadcast %parallel_loop3A_123 : i32 to vector<16xi32>
        %parallel_loop3A_125 = arith.muli %parallel_loop3A_122, %parallel_loop3A_124 : vector<16xi32>
        %parallel_loop3A_126 = arith.addi %parallel_loop3A_114, %parallel_loop3A_125 : vector<16xi32>
        %parallel_loop3A_127 = arith.constant 32 : i32
        %parallel_loop3A_128 = vector.broadcast %parallel_loop3A_127 : i32 to vector<16xi32>
        %parallel_loop3A_129 = arith.muli %parallel_loop3A_126, %parallel_loop3A_128 : vector<16xi32>
        %parallel_loop3A_130 = arith.constant 512 : i32
        %parallel_loop3A_131 = arith.muli %parallel_loop3A_109, %parallel_loop3A_130 : i32
        %parallel_loop3A_132 = vector.broadcast %parallel_loop3A_131 : i32 to vector<16xi32>
        %parallel_loop3A_133 = arith.addi %mul3A_5, %parallel_loop3A_132 : vector<16xi32>
        %parallel_loop3A_134 = arith.constant 0 : i32
        %parallel_loop3A_135 = vector.broadcast %parallel_loop3A_134 : i32 to vector<16xi32>
        %parallel_loop3A_136 = arith.addi %iota3A, %parallel_loop3A_135 : vector<16xi32>
        %parallel_loop3A_137 = arith.constant 31 : i32
        %parallel_loop3A_138 = vector.broadcast %parallel_loop3A_137 : i32 to vector<16xi32>
        %parallel_loop3A_139 = arith.andi %parallel_loop3A_136, %parallel_loop3A_138 : vector<16xi32>
        %parallel_loop3A_140 = arith.addi %parallel_loop3A_129, %parallel_loop3A_139 : vector<16xi32>
        %parallel_loop3A_141 = tpu.vector_load_idx %arg7[%parallel_loop3A_140] : memref<62400xf32, #tpu.memory_space<vmem>>[vector<16xi32>], vector<16xf32>,
        %parallel_loop3A_142 = arith.addi %parallel_loop3A_133, %parallel_loop3A_139 : vector<16xi32>
        %parallel_loop3A_143 = arith.constant 0 : i32
        %parallel_loop3A_144 = tpu.memref_slice %arg6[%rem3A_73, %parallel_loop3A_143] : memref<2x25600xf32, #tpu.memory_space<vmem>> -> memref<1x25600xf32, #tpu.memory_space<vmem>>
        %parallel_loop3A_145 = tpu.memref_squeeze %parallel_loop3A_144 : memref<1x25600xf32, #tpu.memory_space<vmem>> -> memref<25600xf32, #tpu.memory_space<vmem>>
        tpu.vector_store_idx %parallel_loop3A_145[%parallel_loop3A_142], %parallel_loop3A_141 : memref<25600xf32, #tpu.memory_space<vmem>>[vector<16xi32>], vector<16xf32>,
        %parallel_loop3A_146 = arith.constant 1 : i32
        %parallel_loop3A_147 = vector.broadcast %parallel_loop3A_146 : i32 to vector<16xi32>
        %parallel_loop3A_148 = arith.addi %iota3A, %parallel_loop3A_147 : vector<16xi32>
        %parallel_loop3A_149 = arith.constant 31 : i32
        %parallel_loop3A_150 = vector.broadcast %parallel_loop3A_149 : i32 to vector<16xi32>
        %parallel_loop3A_151 = arith.andi %parallel_loop3A_148, %parallel_loop3A_150 : vector<16xi32>
        %parallel_loop3A_152 = arith.addi %parallel_loop3A_129, %parallel_loop3A_151 : vector<16xi32>
        %parallel_loop3A_153 = tpu.vector_load_idx %arg7[%parallel_loop3A_152] : memref<62400xf32, #tpu.memory_space<vmem>>[vector<16xi32>], vector<16xf32>,
        %parallel_loop3A_154 = arith.addi %parallel_loop3A_133, %parallel_loop3A_151 : vector<16xi32>
        %parallel_loop3A_155 = arith.constant 0 : i32
        %parallel_loop3A_156 = tpu.memref_slice %arg6[%rem3A_73, %parallel_loop3A_155] : memref<2x25600xf32, #tpu.memory_space<vmem>> -> memref<1x25600xf32, #tpu.memory_space<vmem>>
        %parallel_loop3A_157 = tpu.memref_squeeze %parallel_loop3A_156 : memref<1x25600xf32, #tpu.memory_space<vmem>> -> memref<25600xf32, #tpu.memory_space<vmem>>
        tpu.vector_store_idx %parallel_loop3A_157[%parallel_loop3A_154], %parallel_loop3A_153 : memref<25600xf32, #tpu.memory_space<vmem>>[vector<16xi32>], vector<16xf32>,
        %parallel_loop3A_158 = arith.constant 2 : i32
        %parallel_loop3A_159 = vector.broadcast %parallel_loop3A_158 : i32 to vector<16xi32>
        %parallel_loop3A_160 = arith.addi %iota3A, %parallel_loop3A_159 : vector<16xi32>
        %parallel_loop3A_161 = arith.constant 31 : i32
        %parallel_loop3A_162 = vector.broadcast %parallel_loop3A_161 : i32 to vector<16xi32>
        %parallel_loop3A_163 = arith.andi %parallel_loop3A_160, %parallel_loop3A_162 : vector<16xi32>
        %parallel_loop3A_164 = arith.addi %parallel_loop3A_129, %parallel_loop3A_163 : vector<16xi32>
        %parallel_loop3A_165 = tpu.vector_load_idx %arg7[%parallel_loop3A_164] : memref<62400xf32, #tpu.memory_space<vmem>>[vector<16xi32>], vector<16xf32>,
        %parallel_loop3A_166 = arith.addi %parallel_loop3A_133, %parallel_loop3A_163 : vector<16xi32>
        %parallel_loop3A_167 = arith.constant 0 : i32
        %parallel_loop3A_168 = tpu.memref_slice %arg6[%rem3A_73, %parallel_loop3A_167] : memref<2x25600xf32, #tpu.memory_space<vmem>> -> memref<1x25600xf32, #tpu.memory_space<vmem>>
        %parallel_loop3A_169 = tpu.memref_squeeze %parallel_loop3A_168 : memref<1x25600xf32, #tpu.memory_space<vmem>> -> memref<25600xf32, #tpu.memory_space<vmem>>
        tpu.vector_store_idx %parallel_loop3A_169[%parallel_loop3A_166], %parallel_loop3A_165 : memref<25600xf32, #tpu.memory_space<vmem>>[vector<16xi32>], vector<16xf32>,
        %parallel_loop3A_170 = arith.constant 3 : i32
        %parallel_loop3A_171 = vector.broadcast %parallel_loop3A_170 : i32 to vector<16xi32>
        %parallel_loop3A_172 = arith.addi %iota3A, %parallel_loop3A_171 : vector<16xi32>
        %parallel_loop3A_173 = arith.constant 31 : i32
        %parallel_loop3A_174 = vector.broadcast %parallel_loop3A_173 : i32 to vector<16xi32>
        %parallel_loop3A_175 = arith.andi %parallel_loop3A_172, %parallel_loop3A_174 : vector<16xi32>
        %parallel_loop3A_176 = arith.addi %parallel_loop3A_129, %parallel_loop3A_175 : vector<16xi32>
        %parallel_loop3A_177 = tpu.vector_load_idx %arg7[%parallel_loop3A_176] : memref<62400xf32, #tpu.memory_space<vmem>>[vector<16xi32>], vector<16xf32>,
        %parallel_loop3A_178 = arith.addi %parallel_loop3A_133, %parallel_loop3A_175 : vector<16xi32>
        %parallel_loop3A_179 = arith.constant 0 : i32
        %parallel_loop3A_180 = tpu.memref_slice %arg6[%rem3A_73, %parallel_loop3A_179] : memref<2x25600xf32, #tpu.memory_space<vmem>> -> memref<1x25600xf32, #tpu.memory_space<vmem>>
        %parallel_loop3A_181 = tpu.memref_squeeze %parallel_loop3A_180 : memref<1x25600xf32, #tpu.memory_space<vmem>> -> memref<25600xf32, #tpu.memory_space<vmem>>
        tpu.vector_store_idx %parallel_loop3A_181[%parallel_loop3A_178], %parallel_loop3A_177 : memref<25600xf32, #tpu.memory_space<vmem>>[vector<16xi32>], vector<16xf32>,
        %parallel_loop3A_182 = arith.constant 4 : i32
        %parallel_loop3A_183 = vector.broadcast %parallel_loop3A_182 : i32 to vector<16xi32>
        %parallel_loop3A_184 = arith.addi %iota3A, %parallel_loop3A_183 : vector<16xi32>
        %parallel_loop3A_185 = arith.constant 31 : i32
        %parallel_loop3A_186 = vector.broadcast %parallel_loop3A_185 : i32 to vector<16xi32>
        %parallel_loop3A_187 = arith.andi %parallel_loop3A_184, %parallel_loop3A_186 : vector<16xi32>
        %parallel_loop3A_188 = arith.addi %parallel_loop3A_129, %parallel_loop3A_187 : vector<16xi32>
        %parallel_loop3A_189 = tpu.vector_load_idx %arg7[%parallel_loop3A_188] : memref<62400xf32, #tpu.memory_space<vmem>>[vector<16xi32>], vector<16xf32>,
        %parallel_loop3A_190 = arith.addi %parallel_loop3A_133, %parallel_loop3A_187 : vector<16xi32>
        %parallel_loop3A_191 = arith.constant 0 : i32
        %parallel_loop3A_192 = tpu.memref_slice %arg6[%rem3A_73, %parallel_loop3A_191] : memref<2x25600xf32, #tpu.memory_space<vmem>> -> memref<1x25600xf32, #tpu.memory_space<vmem>>
        %parallel_loop3A_193 = tpu.memref_squeeze %parallel_loop3A_192 : memref<1x25600xf32, #tpu.memory_space<vmem>> -> memref<25600xf32, #tpu.memory_space<vmem>>
        tpu.vector_store_idx %parallel_loop3A_193[%parallel_loop3A_190], %parallel_loop3A_189 : memref<25600xf32, #tpu.memory_space<vmem>>[vector<16xi32>], vector<16xf32>,
        %parallel_loop3A_194 = arith.constant 5 : i32
        %parallel_loop3A_195 = vector.broadcast %parallel_loop3A_194 : i32 to vector<16xi32>
        %parallel_loop3A_196 = arith.addi %iota3A, %parallel_loop3A_195 : vector<16xi32>
        %parallel_loop3A_197 = arith.constant 31 : i32
        %parallel_loop3A_198 = vector.broadcast %parallel_loop3A_197 : i32 to vector<16xi32>
        %parallel_loop3A_199 = arith.andi %parallel_loop3A_196, %parallel_loop3A_198 : vector<16xi32>
        %parallel_loop3A_200 = arith.addi %parallel_loop3A_129, %parallel_loop3A_199 : vector<16xi32>
        %parallel_loop3A_201 = tpu.vector_load_idx %arg7[%parallel_loop3A_200] : memref<62400xf32, #tpu.memory_space<vmem>>[vector<16xi32>], vector<16xf32>,
        %parallel_loop3A_202 = arith.addi %parallel_loop3A_133, %parallel_loop3A_199 : vector<16xi32>
        %parallel_loop3A_203 = arith.constant 0 : i32
        %parallel_loop3A_204 = tpu.memref_slice %arg6[%rem3A_73, %parallel_loop3A_203] : memref<2x25600xf32, #tpu.memory_space<vmem>> -> memref<1x25600xf32, #tpu.memory_space<vmem>>
        %parallel_loop3A_205 = tpu.memref_squeeze %parallel_loop3A_204 : memref<1x25600xf32, #tpu.memory_space<vmem>> -> memref<25600xf32, #tpu.memory_space<vmem>>
        tpu.vector_store_idx %parallel_loop3A_205[%parallel_loop3A_202], %parallel_loop3A_201 : memref<25600xf32, #tpu.memory_space<vmem>>[vector<16xi32>], vector<16xf32>,
        %parallel_loop3A_206 = arith.constant 6 : i32
        %parallel_loop3A_207 = vector.broadcast %parallel_loop3A_206 : i32 to vector<16xi32>
        %parallel_loop3A_208 = arith.addi %iota3A, %parallel_loop3A_207 : vector<16xi32>
        %parallel_loop3A_209 = arith.constant 31 : i32
        %parallel_loop3A_210 = vector.broadcast %parallel_loop3A_209 : i32 to vector<16xi32>
        %parallel_loop3A_211 = arith.andi %parallel_loop3A_208, %parallel_loop3A_210 : vector<16xi32>
        %parallel_loop3A_212 = arith.addi %parallel_loop3A_129, %parallel_loop3A_211 : vector<16xi32>
        %parallel_loop3A_213 = tpu.vector_load_idx %arg7[%parallel_loop3A_212] : memref<62400xf32, #tpu.memory_space<vmem>>[vector<16xi32>], vector<16xf32>,
        %parallel_loop3A_214 = arith.addi %parallel_loop3A_133, %parallel_loop3A_211 : vector<16xi32>
        %parallel_loop3A_215 = arith.constant 0 : i32
        %parallel_loop3A_216 = tpu.memref_slice %arg6[%rem3A_73, %parallel_loop3A_215] : memref<2x25600xf32, #tpu.memory_space<vmem>> -> memref<1x25600xf32, #tpu.memory_space<vmem>>
        %parallel_loop3A_217 = tpu.memref_squeeze %parallel_loop3A_216 : memref<1x25600xf32, #tpu.memory_space<vmem>> -> memref<25600xf32, #tpu.memory_space<vmem>>
        tpu.vector_store_idx %parallel_loop3A_217[%parallel_loop3A_214], %parallel_loop3A_213 : memref<25600xf32, #tpu.memory_space<vmem>>[vector<16xi32>], vector<16xf32>,
        %parallel_loop3A_218 = arith.constant 7 : i32
        %parallel_loop3A_219 = vector.broadcast %parallel_loop3A_218 : i32 to vector<16xi32>
        %parallel_loop3A_220 = arith.addi %iota3A, %parallel_loop3A_219 : vector<16xi32>
        %parallel_loop3A_221 = arith.constant 31 : i32
        %parallel_loop3A_222 = vector.broadcast %parallel_loop3A_221 : i32 to vector<16xi32>
        %parallel_loop3A_223 = arith.andi %parallel_loop3A_220, %parallel_loop3A_222 : vector<16xi32>
        %parallel_loop3A_224 = arith.addi %parallel_loop3A_129, %parallel_loop3A_223 : vector<16xi32>
        %parallel_loop3A_225 = tpu.vector_load_idx %arg7[%parallel_loop3A_224] : memref<62400xf32, #tpu.memory_space<vmem>>[vector<16xi32>], vector<16xf32>,
        %parallel_loop3A_226 = arith.addi %parallel_loop3A_133, %parallel_loop3A_223 : vector<16xi32>
        %parallel_loop3A_227 = arith.constant 0 : i32
        %parallel_loop3A_228 = tpu.memref_slice %arg6[%rem3A_73, %parallel_loop3A_227] : memref<2x25600xf32, #tpu.memory_space<vmem>> -> memref<1x25600xf32, #tpu.memory_space<vmem>>
        %parallel_loop3A_229 = tpu.memref_squeeze %parallel_loop3A_228 : memref<1x25600xf32, #tpu.memory_space<vmem>> -> memref<25600xf32, #tpu.memory_space<vmem>>
        tpu.vector_store_idx %parallel_loop3A_229[%parallel_loop3A_226], %parallel_loop3A_225 : memref<25600xf32, #tpu.memory_space<vmem>>[vector<16xi32>], vector<16xf32>,
        %parallel_loop3A_230 = arith.constant 8 : i32
        %parallel_loop3A_231 = vector.broadcast %parallel_loop3A_230 : i32 to vector<16xi32>
        %parallel_loop3A_232 = arith.addi %iota3A, %parallel_loop3A_231 : vector<16xi32>
        %parallel_loop3A_233 = arith.constant 31 : i32
        %parallel_loop3A_234 = vector.broadcast %parallel_loop3A_233 : i32 to vector<16xi32>
        %parallel_loop3A_235 = arith.andi %parallel_loop3A_232, %parallel_loop3A_234 : vector<16xi32>
        %parallel_loop3A_236 = arith.addi %parallel_loop3A_129, %parallel_loop3A_235 : vector<16xi32>
        %parallel_loop3A_237 = tpu.vector_load_idx %arg7[%parallel_loop3A_236] : memref<62400xf32, #tpu.memory_space<vmem>>[vector<16xi32>], vector<16xf32>,
        %parallel_loop3A_238 = arith.addi %parallel_loop3A_133, %parallel_loop3A_235 : vector<16xi32>
        %parallel_loop3A_239 = arith.constant 0 : i32
        %parallel_loop3A_240 = tpu.memref_slice %arg6[%rem3A_73, %parallel_loop3A_239] : memref<2x25600xf32, #tpu.memory_space<vmem>> -> memref<1x25600xf32, #tpu.memory_space<vmem>>
        %parallel_loop3A_241 = tpu.memref_squeeze %parallel_loop3A_240 : memref<1x25600xf32, #tpu.memory_space<vmem>> -> memref<25600xf32, #tpu.memory_space<vmem>>
        tpu.vector_store_idx %parallel_loop3A_241[%parallel_loop3A_238], %parallel_loop3A_237 : memref<25600xf32, #tpu.memory_space<vmem>>[vector<16xi32>], vector<16xf32>,
        %parallel_loop3A_242 = arith.constant 9 : i32
        %parallel_loop3A_243 = vector.broadcast %parallel_loop3A_242 : i32 to vector<16xi32>
        %parallel_loop3A_244 = arith.addi %iota3A, %parallel_loop3A_243 : vector<16xi32>
        %parallel_loop3A_245 = arith.constant 31 : i32
        %parallel_loop3A_246 = vector.broadcast %parallel_loop3A_245 : i32 to vector<16xi32>
        %parallel_loop3A_247 = arith.andi %parallel_loop3A_244, %parallel_loop3A_246 : vector<16xi32>
        %parallel_loop3A_248 = arith.addi %parallel_loop3A_129, %parallel_loop3A_247 : vector<16xi32>
        %parallel_loop3A_249 = tpu.vector_load_idx %arg7[%parallel_loop3A_248] : memref<62400xf32, #tpu.memory_space<vmem>>[vector<16xi32>], vector<16xf32>,
        %parallel_loop3A_250 = arith.addi %parallel_loop3A_133, %parallel_loop3A_247 : vector<16xi32>
        %parallel_loop3A_251 = arith.constant 0 : i32
        %parallel_loop3A_252 = tpu.memref_slice %arg6[%rem3A_73, %parallel_loop3A_251] : memref<2x25600xf32, #tpu.memory_space<vmem>> -> memref<1x25600xf32, #tpu.memory_space<vmem>>
        %parallel_loop3A_253 = tpu.memref_squeeze %parallel_loop3A_252 : memref<1x25600xf32, #tpu.memory_space<vmem>> -> memref<25600xf32, #tpu.memory_space<vmem>>
        tpu.vector_store_idx %parallel_loop3A_253[%parallel_loop3A_250], %parallel_loop3A_249 : memref<25600xf32, #tpu.memory_space<vmem>>[vector<16xi32>], vector<16xf32>,
        %parallel_loop3A_254 = arith.constant 10 : i32
        %parallel_loop3A_255 = vector.broadcast %parallel_loop3A_254 : i32 to vector<16xi32>
        %parallel_loop3A_256 = arith.addi %iota3A, %parallel_loop3A_255 : vector<16xi32>
        %parallel_loop3A_257 = arith.constant 31 : i32
        %parallel_loop3A_258 = vector.broadcast %parallel_loop3A_257 : i32 to vector<16xi32>
        %parallel_loop3A_259 = arith.andi %parallel_loop3A_256, %parallel_loop3A_258 : vector<16xi32>
        %parallel_loop3A_260 = arith.addi %parallel_loop3A_129, %parallel_loop3A_259 : vector<16xi32>
        %parallel_loop3A_261 = tpu.vector_load_idx %arg7[%parallel_loop3A_260] : memref<62400xf32, #tpu.memory_space<vmem>>[vector<16xi32>], vector<16xf32>,
        %parallel_loop3A_262 = arith.addi %parallel_loop3A_133, %parallel_loop3A_259 : vector<16xi32>
        %parallel_loop3A_263 = arith.constant 0 : i32
        %parallel_loop3A_264 = tpu.memref_slice %arg6[%rem3A_73, %parallel_loop3A_263] : memref<2x25600xf32, #tpu.memory_space<vmem>> -> memref<1x25600xf32, #tpu.memory_space<vmem>>
        %parallel_loop3A_265 = tpu.memref_squeeze %parallel_loop3A_264 : memref<1x25600xf32, #tpu.memory_space<vmem>> -> memref<25600xf32, #tpu.memory_space<vmem>>
        tpu.vector_store_idx %parallel_loop3A_265[%parallel_loop3A_262], %parallel_loop3A_261 : memref<25600xf32, #tpu.memory_space<vmem>>[vector<16xi32>], vector<16xf32>,
        %parallel_loop3A_266 = arith.constant 11 : i32
        %parallel_loop3A_267 = vector.broadcast %parallel_loop3A_266 : i32 to vector<16xi32>
        %parallel_loop3A_268 = arith.addi %iota3A, %parallel_loop3A_267 : vector<16xi32>
        %parallel_loop3A_269 = arith.constant 31 : i32
        %parallel_loop3A_270 = vector.broadcast %parallel_loop3A_269 : i32 to vector<16xi32>
        %parallel_loop3A_271 = arith.andi %parallel_loop3A_268, %parallel_loop3A_270 : vector<16xi32>
        %parallel_loop3A_272 = arith.addi %parallel_loop3A_129, %parallel_loop3A_271 : vector<16xi32>
        %parallel_loop3A_273 = tpu.vector_load_idx %arg7[%parallel_loop3A_272] : memref<62400xf32, #tpu.memory_space<vmem>>[vector<16xi32>], vector<16xf32>,
        %parallel_loop3A_274 = arith.addi %parallel_loop3A_133, %parallel_loop3A_271 : vector<16xi32>
        %parallel_loop3A_275 = arith.constant 0 : i32
        %parallel_loop3A_276 = tpu.memref_slice %arg6[%rem3A_73, %parallel_loop3A_275] : memref<2x25600xf32, #tpu.memory_space<vmem>> -> memref<1x25600xf32, #tpu.memory_space<vmem>>
        %parallel_loop3A_277 = tpu.memref_squeeze %parallel_loop3A_276 : memref<1x25600xf32, #tpu.memory_space<vmem>> -> memref<25600xf32, #tpu.memory_space<vmem>>
        tpu.vector_store_idx %parallel_loop3A_277[%parallel_loop3A_274], %parallel_loop3A_273 : memref<25600xf32, #tpu.memory_space<vmem>>[vector<16xi32>], vector<16xf32>,
        %parallel_loop3A_278 = arith.constant 12 : i32
        %parallel_loop3A_279 = vector.broadcast %parallel_loop3A_278 : i32 to vector<16xi32>
        %parallel_loop3A_280 = arith.addi %iota3A, %parallel_loop3A_279 : vector<16xi32>
        %parallel_loop3A_281 = arith.constant 31 : i32
        %parallel_loop3A_282 = vector.broadcast %parallel_loop3A_281 : i32 to vector<16xi32>
        %parallel_loop3A_283 = arith.andi %parallel_loop3A_280, %parallel_loop3A_282 : vector<16xi32>
        %parallel_loop3A_284 = arith.addi %parallel_loop3A_129, %parallel_loop3A_283 : vector<16xi32>
        %parallel_loop3A_285 = tpu.vector_load_idx %arg7[%parallel_loop3A_284] : memref<62400xf32, #tpu.memory_space<vmem>>[vector<16xi32>], vector<16xf32>,
        %parallel_loop3A_286 = arith.addi %parallel_loop3A_133, %parallel_loop3A_283 : vector<16xi32>
        %parallel_loop3A_287 = arith.constant 0 : i32
        %parallel_loop3A_288 = tpu.memref_slice %arg6[%rem3A_73, %parallel_loop3A_287] : memref<2x25600xf32, #tpu.memory_space<vmem>> -> memref<1x25600xf32, #tpu.memory_space<vmem>>
        %parallel_loop3A_289 = tpu.memref_squeeze %parallel_loop3A_288 : memref<1x25600xf32, #tpu.memory_space<vmem>> -> memref<25600xf32, #tpu.memory_space<vmem>>
        tpu.vector_store_idx %parallel_loop3A_289[%parallel_loop3A_286], %parallel_loop3A_285 : memref<25600xf32, #tpu.memory_space<vmem>>[vector<16xi32>], vector<16xf32>,
        %parallel_loop3A_290 = arith.constant 13 : i32
        %parallel_loop3A_291 = vector.broadcast %parallel_loop3A_290 : i32 to vector<16xi32>
        %parallel_loop3A_292 = arith.addi %iota3A, %parallel_loop3A_291 : vector<16xi32>
        %parallel_loop3A_293 = arith.constant 31 : i32
        %parallel_loop3A_294 = vector.broadcast %parallel_loop3A_293 : i32 to vector<16xi32>
        %parallel_loop3A_295 = arith.andi %parallel_loop3A_292, %parallel_loop3A_294 : vector<16xi32>
        %parallel_loop3A_296 = arith.addi %parallel_loop3A_129, %parallel_loop3A_295 : vector<16xi32>
        %parallel_loop3A_297 = tpu.vector_load_idx %arg7[%parallel_loop3A_296] : memref<62400xf32, #tpu.memory_space<vmem>>[vector<16xi32>], vector<16xf32>,
        %parallel_loop3A_298 = arith.addi %parallel_loop3A_133, %parallel_loop3A_295 : vector<16xi32>
        %parallel_loop3A_299 = arith.constant 0 : i32
        %parallel_loop3A_300 = tpu.memref_slice %arg6[%rem3A_73, %parallel_loop3A_299] : memref<2x25600xf32, #tpu.memory_space<vmem>> -> memref<1x25600xf32, #tpu.memory_space<vmem>>
        %parallel_loop3A_301 = tpu.memref_squeeze %parallel_loop3A_300 : memref<1x25600xf32, #tpu.memory_space<vmem>> -> memref<25600xf32, #tpu.memory_space<vmem>>
        tpu.vector_store_idx %parallel_loop3A_301[%parallel_loop3A_298], %parallel_loop3A_297 : memref<25600xf32, #tpu.memory_space<vmem>>[vector<16xi32>], vector<16xf32>,
        %parallel_loop3A_302 = arith.constant 14 : i32
        %parallel_loop3A_303 = vector.broadcast %parallel_loop3A_302 : i32 to vector<16xi32>
        %parallel_loop3A_304 = arith.addi %iota3A, %parallel_loop3A_303 : vector<16xi32>
        %parallel_loop3A_305 = arith.constant 31 : i32
        %parallel_loop3A_306 = vector.broadcast %parallel_loop3A_305 : i32 to vector<16xi32>
        %parallel_loop3A_307 = arith.andi %parallel_loop3A_304, %parallel_loop3A_306 : vector<16xi32>
        %parallel_loop3A_308 = arith.addi %parallel_loop3A_129, %parallel_loop3A_307 : vector<16xi32>
        %parallel_loop3A_309 = tpu.vector_load_idx %arg7[%parallel_loop3A_308] : memref<62400xf32, #tpu.memory_space<vmem>>[vector<16xi32>], vector<16xf32>,
        %parallel_loop3A_310 = arith.addi %parallel_loop3A_133, %parallel_loop3A_307 : vector<16xi32>
        %parallel_loop3A_311 = arith.constant 0 : i32
        %parallel_loop3A_312 = tpu.memref_slice %arg6[%rem3A_73, %parallel_loop3A_311] : memref<2x25600xf32, #tpu.memory_space<vmem>> -> memref<1x25600xf32, #tpu.memory_space<vmem>>
        %parallel_loop3A_313 = tpu.memref_squeeze %parallel_loop3A_312 : memref<1x25600xf32, #tpu.memory_space<vmem>> -> memref<25600xf32, #tpu.memory_space<vmem>>
        tpu.vector_store_idx %parallel_loop3A_313[%parallel_loop3A_310], %parallel_loop3A_309 : memref<25600xf32, #tpu.memory_space<vmem>>[vector<16xi32>], vector<16xf32>,
        %parallel_loop3A_314 = arith.constant 15 : i32
        %parallel_loop3A_315 = vector.broadcast %parallel_loop3A_314 : i32 to vector<16xi32>
        %parallel_loop3A_316 = arith.addi %iota3A, %parallel_loop3A_315 : vector<16xi32>
        %parallel_loop3A_317 = arith.constant 31 : i32
        %parallel_loop3A_318 = vector.broadcast %parallel_loop3A_317 : i32 to vector<16xi32>
        %parallel_loop3A_319 = arith.andi %parallel_loop3A_316, %parallel_loop3A_318 : vector<16xi32>
        %parallel_loop3A_320 = arith.addi %parallel_loop3A_129, %parallel_loop3A_319 : vector<16xi32>
        %parallel_loop3A_321 = tpu.vector_load_idx %arg7[%parallel_loop3A_320] : memref<62400xf32, #tpu.memory_space<vmem>>[vector<16xi32>], vector<16xf32>,
        %parallel_loop3A_322 = arith.addi %parallel_loop3A_133, %parallel_loop3A_319 : vector<16xi32>
        %parallel_loop3A_323 = arith.constant 0 : i32
        %parallel_loop3A_324 = tpu.memref_slice %arg6[%rem3A_73, %parallel_loop3A_323] : memref<2x25600xf32, #tpu.memory_space<vmem>> -> memref<1x25600xf32, #tpu.memory_space<vmem>>
        %parallel_loop3A_325 = tpu.memref_squeeze %parallel_loop3A_324 : memref<1x25600xf32, #tpu.memory_space<vmem>> -> memref<25600xf32, #tpu.memory_space<vmem>>
        tpu.vector_store_idx %parallel_loop3A_325[%parallel_loop3A_322], %parallel_loop3A_321 : memref<25600xf32, #tpu.memory_space<vmem>>[vector<16xi32>], vector<16xf32>,
        %parallel_loop3A_326 = arith.constant 16 : i32
        %parallel_loop3A_327 = vector.broadcast %parallel_loop3A_326 : i32 to vector<16xi32>
        %parallel_loop3A_328 = arith.addi %iota3A, %parallel_loop3A_327 : vector<16xi32>
        %parallel_loop3A_329 = arith.constant 31 : i32
        %parallel_loop3A_330 = vector.broadcast %parallel_loop3A_329 : i32 to vector<16xi32>
        %parallel_loop3A_331 = arith.andi %parallel_loop3A_328, %parallel_loop3A_330 : vector<16xi32>
        %parallel_loop3A_332 = arith.addi %parallel_loop3A_129, %parallel_loop3A_331 : vector<16xi32>
        %parallel_loop3A_333 = tpu.vector_load_idx %arg7[%parallel_loop3A_332] : memref<62400xf32, #tpu.memory_space<vmem>>[vector<16xi32>], vector<16xf32>,
        %parallel_loop3A_334 = arith.addi %parallel_loop3A_133, %parallel_loop3A_331 : vector<16xi32>
        %parallel_loop3A_335 = arith.constant 0 : i32
        %parallel_loop3A_336 = tpu.memref_slice %arg6[%rem3A_73, %parallel_loop3A_335] : memref<2x25600xf32, #tpu.memory_space<vmem>> -> memref<1x25600xf32, #tpu.memory_space<vmem>>
        %parallel_loop3A_337 = tpu.memref_squeeze %parallel_loop3A_336 : memref<1x25600xf32, #tpu.memory_space<vmem>> -> memref<25600xf32, #tpu.memory_space<vmem>>
        tpu.vector_store_idx %parallel_loop3A_337[%parallel_loop3A_334], %parallel_loop3A_333 : memref<25600xf32, #tpu.memory_space<vmem>>[vector<16xi32>], vector<16xf32>,
        %parallel_loop3A_338 = arith.constant 17 : i32
        %parallel_loop3A_339 = vector.broadcast %parallel_loop3A_338 : i32 to vector<16xi32>
        %parallel_loop3A_340 = arith.addi %iota3A, %parallel_loop3A_339 : vector<16xi32>
        %parallel_loop3A_341 = arith.constant 31 : i32
        %parallel_loop3A_342 = vector.broadcast %parallel_loop3A_341 : i32 to vector<16xi32>
        %parallel_loop3A_343 = arith.andi %parallel_loop3A_340, %parallel_loop3A_342 : vector<16xi32>
        %parallel_loop3A_344 = arith.addi %parallel_loop3A_129, %parallel_loop3A_343 : vector<16xi32>
        %parallel_loop3A_345 = tpu.vector_load_idx %arg7[%parallel_loop3A_344] : memref<62400xf32, #tpu.memory_space<vmem>>[vector<16xi32>], vector<16xf32>,
        %parallel_loop3A_346 = arith.addi %parallel_loop3A_133, %parallel_loop3A_343 : vector<16xi32>
        %parallel_loop3A_347 = arith.constant 0 : i32
        %parallel_loop3A_348 = tpu.memref_slice %arg6[%rem3A_73, %parallel_loop3A_347] : memref<2x25600xf32, #tpu.memory_space<vmem>> -> memref<1x25600xf32, #tpu.memory_space<vmem>>
        %parallel_loop3A_349 = tpu.memref_squeeze %parallel_loop3A_348 : memref<1x25600xf32, #tpu.memory_space<vmem>> -> memref<25600xf32, #tpu.memory_space<vmem>>
        tpu.vector_store_idx %parallel_loop3A_349[%parallel_loop3A_346], %parallel_loop3A_345 : memref<25600xf32, #tpu.memory_space<vmem>>[vector<16xi32>], vector<16xf32>,
        %parallel_loop3A_350 = arith.constant 18 : i32
        %parallel_loop3A_351 = vector.broadcast %parallel_loop3A_350 : i32 to vector<16xi32>
        %parallel_loop3A_352 = arith.addi %iota3A, %parallel_loop3A_351 : vector<16xi32>
        %parallel_loop3A_353 = arith.constant 31 : i32
        %parallel_loop3A_354 = vector.broadcast %parallel_loop3A_353 : i32 to vector<16xi32>
        %parallel_loop3A_355 = arith.andi %parallel_loop3A_352, %parallel_loop3A_354 : vector<16xi32>
        %parallel_loop3A_356 = arith.addi %parallel_loop3A_129, %parallel_loop3A_355 : vector<16xi32>
        %parallel_loop3A_357 = tpu.vector_load_idx %arg7[%parallel_loop3A_356] : memref<62400xf32, #tpu.memory_space<vmem>>[vector<16xi32>], vector<16xf32>,
        %parallel_loop3A_358 = arith.addi %parallel_loop3A_133, %parallel_loop3A_355 : vector<16xi32>
        %parallel_loop3A_359 = arith.constant 0 : i32
        %parallel_loop3A_360 = tpu.memref_slice %arg6[%rem3A_73, %parallel_loop3A_359] : memref<2x25600xf32, #tpu.memory_space<vmem>> -> memref<1x25600xf32, #tpu.memory_space<vmem>>
        %parallel_loop3A_361 = tpu.memref_squeeze %parallel_loop3A_360 : memref<1x25600xf32, #tpu.memory_space<vmem>> -> memref<25600xf32, #tpu.memory_space<vmem>>
        tpu.vector_store_idx %parallel_loop3A_361[%parallel_loop3A_358], %parallel_loop3A_357 : memref<25600xf32, #tpu.memory_space<vmem>>[vector<16xi32>], vector<16xf32>,
        %parallel_loop3A_362 = arith.constant 19 : i32
        %parallel_loop3A_363 = vector.broadcast %parallel_loop3A_362 : i32 to vector<16xi32>
        %parallel_loop3A_364 = arith.addi %iota3A, %parallel_loop3A_363 : vector<16xi32>
        %parallel_loop3A_365 = arith.constant 31 : i32
        %parallel_loop3A_366 = vector.broadcast %parallel_loop3A_365 : i32 to vector<16xi32>
        %parallel_loop3A_367 = arith.andi %parallel_loop3A_364, %parallel_loop3A_366 : vector<16xi32>
        %parallel_loop3A_368 = arith.addi %parallel_loop3A_129, %parallel_loop3A_367 : vector<16xi32>
        %parallel_loop3A_369 = tpu.vector_load_idx %arg7[%parallel_loop3A_368] : memref<62400xf32, #tpu.memory_space<vmem>>[vector<16xi32>], vector<16xf32>,
        %parallel_loop3A_370 = arith.addi %parallel_loop3A_133, %parallel_loop3A_367 : vector<16xi32>
        %parallel_loop3A_371 = arith.constant 0 : i32
        %parallel_loop3A_372 = tpu.memref_slice %arg6[%rem3A_73, %parallel_loop3A_371] : memref<2x25600xf32, #tpu.memory_space<vmem>> -> memref<1x25600xf32, #tpu.memory_space<vmem>>
        %parallel_loop3A_373 = tpu.memref_squeeze %parallel_loop3A_372 : memref<1x25600xf32, #tpu.memory_space<vmem>> -> memref<25600xf32, #tpu.memory_space<vmem>>
        tpu.vector_store_idx %parallel_loop3A_373[%parallel_loop3A_370], %parallel_loop3A_369 : memref<25600xf32, #tpu.memory_space<vmem>>[vector<16xi32>], vector<16xf32>,
        %parallel_loop3A_374 = arith.constant 20 : i32
        %parallel_loop3A_375 = vector.broadcast %parallel_loop3A_374 : i32 to vector<16xi32>
        %parallel_loop3A_376 = arith.addi %iota3A, %parallel_loop3A_375 : vector<16xi32>
        %parallel_loop3A_377 = arith.constant 31 : i32
        %parallel_loop3A_378 = vector.broadcast %parallel_loop3A_377 : i32 to vector<16xi32>
        %parallel_loop3A_379 = arith.andi %parallel_loop3A_376, %parallel_loop3A_378 : vector<16xi32>
        %parallel_loop3A_380 = arith.addi %parallel_loop3A_129, %parallel_loop3A_379 : vector<16xi32>
        %parallel_loop3A_381 = tpu.vector_load_idx %arg7[%parallel_loop3A_380] : memref<62400xf32, #tpu.memory_space<vmem>>[vector<16xi32>], vector<16xf32>,
        %parallel_loop3A_382 = arith.addi %parallel_loop3A_133, %parallel_loop3A_379 : vector<16xi32>
        %parallel_loop3A_383 = arith.constant 0 : i32
        %parallel_loop3A_384 = tpu.memref_slice %arg6[%rem3A_73, %parallel_loop3A_383] : memref<2x25600xf32, #tpu.memory_space<vmem>> -> memref<1x25600xf32, #tpu.memory_space<vmem>>
        %parallel_loop3A_385 = tpu.memref_squeeze %parallel_loop3A_384 : memref<1x25600xf32, #tpu.memory_space<vmem>> -> memref<25600xf32, #tpu.memory_space<vmem>>
        tpu.vector_store_idx %parallel_loop3A_385[%parallel_loop3A_382], %parallel_loop3A_381 : memref<25600xf32, #tpu.memory_space<vmem>>[vector<16xi32>], vector<16xf32>,
        %parallel_loop3A_386 = arith.constant 21 : i32
        %parallel_loop3A_387 = vector.broadcast %parallel_loop3A_386 : i32 to vector<16xi32>
        %parallel_loop3A_388 = arith.addi %iota3A, %parallel_loop3A_387 : vector<16xi32>
        %parallel_loop3A_389 = arith.constant 31 : i32
        %parallel_loop3A_390 = vector.broadcast %parallel_loop3A_389 : i32 to vector<16xi32>
        %parallel_loop3A_391 = arith.andi %parallel_loop3A_388, %parallel_loop3A_390 : vector<16xi32>
        %parallel_loop3A_392 = arith.addi %parallel_loop3A_129, %parallel_loop3A_391 : vector<16xi32>
        %parallel_loop3A_393 = tpu.vector_load_idx %arg7[%parallel_loop3A_392] : memref<62400xf32, #tpu.memory_space<vmem>>[vector<16xi32>], vector<16xf32>,
        %parallel_loop3A_394 = arith.addi %parallel_loop3A_133, %parallel_loop3A_391 : vector<16xi32>
        %parallel_loop3A_395 = arith.constant 0 : i32
        %parallel_loop3A_396 = tpu.memref_slice %arg6[%rem3A_73, %parallel_loop3A_395] : memref<2x25600xf32, #tpu.memory_space<vmem>> -> memref<1x25600xf32, #tpu.memory_space<vmem>>
        %parallel_loop3A_397 = tpu.memref_squeeze %parallel_loop3A_396 : memref<1x25600xf32, #tpu.memory_space<vmem>> -> memref<25600xf32, #tpu.memory_space<vmem>>
        tpu.vector_store_idx %parallel_loop3A_397[%parallel_loop3A_394], %parallel_loop3A_393 : memref<25600xf32, #tpu.memory_space<vmem>>[vector<16xi32>], vector<16xf32>,
        %parallel_loop3A_398 = arith.constant 22 : i32
        %parallel_loop3A_399 = vector.broadcast %parallel_loop3A_398 : i32 to vector<16xi32>
        %parallel_loop3A_400 = arith.addi %iota3A, %parallel_loop3A_399 : vector<16xi32>
        %parallel_loop3A_401 = arith.constant 31 : i32
        %parallel_loop3A_402 = vector.broadcast %parallel_loop3A_401 : i32 to vector<16xi32>
        %parallel_loop3A_403 = arith.andi %parallel_loop3A_400, %parallel_loop3A_402 : vector<16xi32>
        %parallel_loop3A_404 = arith.addi %parallel_loop3A_129, %parallel_loop3A_403 : vector<16xi32>
        %parallel_loop3A_405 = tpu.vector_load_idx %arg7[%parallel_loop3A_404] : memref<62400xf32, #tpu.memory_space<vmem>>[vector<16xi32>], vector<16xf32>,
        %parallel_loop3A_406 = arith.addi %parallel_loop3A_133, %parallel_loop3A_403 : vector<16xi32>
        %parallel_loop3A_407 = arith.constant 0 : i32
        %parallel_loop3A_408 = tpu.memref_slice %arg6[%rem3A_73, %parallel_loop3A_407] : memref<2x25600xf32, #tpu.memory_space<vmem>> -> memref<1x25600xf32, #tpu.memory_space<vmem>>
        %parallel_loop3A_409 = tpu.memref_squeeze %parallel_loop3A_408 : memref<1x25600xf32, #tpu.memory_space<vmem>> -> memref<25600xf32, #tpu.memory_space<vmem>>
        tpu.vector_store_idx %parallel_loop3A_409[%parallel_loop3A_406], %parallel_loop3A_405 : memref<25600xf32, #tpu.memory_space<vmem>>[vector<16xi32>], vector<16xf32>,
        %parallel_loop3A_410 = arith.constant 23 : i32
        %parallel_loop3A_411 = vector.broadcast %parallel_loop3A_410 : i32 to vector<16xi32>
        %parallel_loop3A_412 = arith.addi %iota3A, %parallel_loop3A_411 : vector<16xi32>
        %parallel_loop3A_413 = arith.constant 31 : i32
        %parallel_loop3A_414 = vector.broadcast %parallel_loop3A_413 : i32 to vector<16xi32>
        %parallel_loop3A_415 = arith.andi %parallel_loop3A_412, %parallel_loop3A_414 : vector<16xi32>
        %parallel_loop3A_416 = arith.addi %parallel_loop3A_129, %parallel_loop3A_415 : vector<16xi32>
        %parallel_loop3A_417 = tpu.vector_load_idx %arg7[%parallel_loop3A_416] : memref<62400xf32, #tpu.memory_space<vmem>>[vector<16xi32>], vector<16xf32>,
        %parallel_loop3A_418 = arith.addi %parallel_loop3A_133, %parallel_loop3A_415 : vector<16xi32>
        %parallel_loop3A_419 = arith.constant 0 : i32
        %parallel_loop3A_420 = tpu.memref_slice %arg6[%rem3A_73, %parallel_loop3A_419] : memref<2x25600xf32, #tpu.memory_space<vmem>> -> memref<1x25600xf32, #tpu.memory_space<vmem>>
        %parallel_loop3A_421 = tpu.memref_squeeze %parallel_loop3A_420 : memref<1x25600xf32, #tpu.memory_space<vmem>> -> memref<25600xf32, #tpu.memory_space<vmem>>
        tpu.vector_store_idx %parallel_loop3A_421[%parallel_loop3A_418], %parallel_loop3A_417 : memref<25600xf32, #tpu.memory_space<vmem>>[vector<16xi32>], vector<16xf32>,
        %parallel_loop3A_422 = arith.constant 24 : i32
        %parallel_loop3A_423 = vector.broadcast %parallel_loop3A_422 : i32 to vector<16xi32>
        %parallel_loop3A_424 = arith.addi %iota3A, %parallel_loop3A_423 : vector<16xi32>
        %parallel_loop3A_425 = arith.constant 31 : i32
        %parallel_loop3A_426 = vector.broadcast %parallel_loop3A_425 : i32 to vector<16xi32>
        %parallel_loop3A_427 = arith.andi %parallel_loop3A_424, %parallel_loop3A_426 : vector<16xi32>
        %parallel_loop3A_428 = arith.addi %parallel_loop3A_129, %parallel_loop3A_427 : vector<16xi32>
        %parallel_loop3A_429 = tpu.vector_load_idx %arg7[%parallel_loop3A_428] : memref<62400xf32, #tpu.memory_space<vmem>>[vector<16xi32>], vector<16xf32>,
        %parallel_loop3A_430 = arith.addi %parallel_loop3A_133, %parallel_loop3A_427 : vector<16xi32>
        %parallel_loop3A_431 = arith.constant 0 : i32
        %parallel_loop3A_432 = tpu.memref_slice %arg6[%rem3A_73, %parallel_loop3A_431] : memref<2x25600xf32, #tpu.memory_space<vmem>> -> memref<1x25600xf32, #tpu.memory_space<vmem>>
        %parallel_loop3A_433 = tpu.memref_squeeze %parallel_loop3A_432 : memref<1x25600xf32, #tpu.memory_space<vmem>> -> memref<25600xf32, #tpu.memory_space<vmem>>
        tpu.vector_store_idx %parallel_loop3A_433[%parallel_loop3A_430], %parallel_loop3A_429 : memref<25600xf32, #tpu.memory_space<vmem>>[vector<16xi32>], vector<16xf32>,
        %parallel_loop3A_434 = arith.constant 25 : i32
        %parallel_loop3A_435 = vector.broadcast %parallel_loop3A_434 : i32 to vector<16xi32>
        %parallel_loop3A_436 = arith.addi %iota3A, %parallel_loop3A_435 : vector<16xi32>
        %parallel_loop3A_437 = arith.constant 31 : i32
        %parallel_loop3A_438 = vector.broadcast %parallel_loop3A_437 : i32 to vector<16xi32>
        %parallel_loop3A_439 = arith.andi %parallel_loop3A_436, %parallel_loop3A_438 : vector<16xi32>
        %parallel_loop3A_440 = arith.addi %parallel_loop3A_129, %parallel_loop3A_439 : vector<16xi32>
        %parallel_loop3A_441 = tpu.vector_load_idx %arg7[%parallel_loop3A_440] : memref<62400xf32, #tpu.memory_space<vmem>>[vector<16xi32>], vector<16xf32>,
        %parallel_loop3A_442 = arith.addi %parallel_loop3A_133, %parallel_loop3A_439 : vector<16xi32>
        %parallel_loop3A_443 = arith.constant 0 : i32
        %parallel_loop3A_444 = tpu.memref_slice %arg6[%rem3A_73, %parallel_loop3A_443] : memref<2x25600xf32, #tpu.memory_space<vmem>> -> memref<1x25600xf32, #tpu.memory_space<vmem>>
        %parallel_loop3A_445 = tpu.memref_squeeze %parallel_loop3A_444 : memref<1x25600xf32, #tpu.memory_space<vmem>> -> memref<25600xf32, #tpu.memory_space<vmem>>
        tpu.vector_store_idx %parallel_loop3A_445[%parallel_loop3A_442], %parallel_loop3A_441 : memref<25600xf32, #tpu.memory_space<vmem>>[vector<16xi32>], vector<16xf32>,
        %parallel_loop3A_446 = arith.constant 26 : i32
        %parallel_loop3A_447 = vector.broadcast %parallel_loop3A_446 : i32 to vector<16xi32>
        %parallel_loop3A_448 = arith.addi %iota3A, %parallel_loop3A_447 : vector<16xi32>
        %parallel_loop3A_449 = arith.constant 31 : i32
        %parallel_loop3A_450 = vector.broadcast %parallel_loop3A_449 : i32 to vector<16xi32>
        %parallel_loop3A_451 = arith.andi %parallel_loop3A_448, %parallel_loop3A_450 : vector<16xi32>
        %parallel_loop3A_452 = arith.addi %parallel_loop3A_129, %parallel_loop3A_451 : vector<16xi32>
        %parallel_loop3A_453 = tpu.vector_load_idx %arg7[%parallel_loop3A_452] : memref<62400xf32, #tpu.memory_space<vmem>>[vector<16xi32>], vector<16xf32>,
        %parallel_loop3A_454 = arith.addi %parallel_loop3A_133, %parallel_loop3A_451 : vector<16xi32>
        %parallel_loop3A_455 = arith.constant 0 : i32
        %parallel_loop3A_456 = tpu.memref_slice %arg6[%rem3A_73, %parallel_loop3A_455] : memref<2x25600xf32, #tpu.memory_space<vmem>> -> memref<1x25600xf32, #tpu.memory_space<vmem>>
        %parallel_loop3A_457 = tpu.memref_squeeze %parallel_loop3A_456 : memref<1x25600xf32, #tpu.memory_space<vmem>> -> memref<25600xf32, #tpu.memory_space<vmem>>
        tpu.vector_store_idx %parallel_loop3A_457[%parallel_loop3A_454], %parallel_loop3A_453 : memref<25600xf32, #tpu.memory_space<vmem>>[vector<16xi32>], vector<16xf32>,
        %parallel_loop3A_458 = arith.constant 27 : i32
        %parallel_loop3A_459 = vector.broadcast %parallel_loop3A_458 : i32 to vector<16xi32>
        %parallel_loop3A_460 = arith.addi %iota3A, %parallel_loop3A_459 : vector<16xi32>
        %parallel_loop3A_461 = arith.constant 31 : i32
        %parallel_loop3A_462 = vector.broadcast %parallel_loop3A_461 : i32 to vector<16xi32>
        %parallel_loop3A_463 = arith.andi %parallel_loop3A_460, %parallel_loop3A_462 : vector<16xi32>
        %parallel_loop3A_464 = arith.addi %parallel_loop3A_129, %parallel_loop3A_463 : vector<16xi32>
        %parallel_loop3A_465 = tpu.vector_load_idx %arg7[%parallel_loop3A_464] : memref<62400xf32, #tpu.memory_space<vmem>>[vector<16xi32>], vector<16xf32>,
        %parallel_loop3A_466 = arith.addi %parallel_loop3A_133, %parallel_loop3A_463 : vector<16xi32>
        %parallel_loop3A_467 = arith.constant 0 : i32
        %parallel_loop3A_468 = tpu.memref_slice %arg6[%rem3A_73, %parallel_loop3A_467] : memref<2x25600xf32, #tpu.memory_space<vmem>> -> memref<1x25600xf32, #tpu.memory_space<vmem>>
        %parallel_loop3A_469 = tpu.memref_squeeze %parallel_loop3A_468 : memref<1x25600xf32, #tpu.memory_space<vmem>> -> memref<25600xf32, #tpu.memory_space<vmem>>
        tpu.vector_store_idx %parallel_loop3A_469[%parallel_loop3A_466], %parallel_loop3A_465 : memref<25600xf32, #tpu.memory_space<vmem>>[vector<16xi32>], vector<16xf32>,
        %parallel_loop3A_470 = arith.constant 28 : i32
        %parallel_loop3A_471 = vector.broadcast %parallel_loop3A_470 : i32 to vector<16xi32>
        %parallel_loop3A_472 = arith.addi %iota3A, %parallel_loop3A_471 : vector<16xi32>
        %parallel_loop3A_473 = arith.constant 31 : i32
        %parallel_loop3A_474 = vector.broadcast %parallel_loop3A_473 : i32 to vector<16xi32>
        %parallel_loop3A_475 = arith.andi %parallel_loop3A_472, %parallel_loop3A_474 : vector<16xi32>
        %parallel_loop3A_476 = arith.addi %parallel_loop3A_129, %parallel_loop3A_475 : vector<16xi32>
        %parallel_loop3A_477 = tpu.vector_load_idx %arg7[%parallel_loop3A_476] : memref<62400xf32, #tpu.memory_space<vmem>>[vector<16xi32>], vector<16xf32>,
        %parallel_loop3A_478 = arith.addi %parallel_loop3A_133, %parallel_loop3A_475 : vector<16xi32>
        %parallel_loop3A_479 = arith.constant 0 : i32
        %parallel_loop3A_480 = tpu.memref_slice %arg6[%rem3A_73, %parallel_loop3A_479] : memref<2x25600xf32, #tpu.memory_space<vmem>> -> memref<1x25600xf32, #tpu.memory_space<vmem>>
        %parallel_loop3A_481 = tpu.memref_squeeze %parallel_loop3A_480 : memref<1x25600xf32, #tpu.memory_space<vmem>> -> memref<25600xf32, #tpu.memory_space<vmem>>
        tpu.vector_store_idx %parallel_loop3A_481[%parallel_loop3A_478], %parallel_loop3A_477 : memref<25600xf32, #tpu.memory_space<vmem>>[vector<16xi32>], vector<16xf32>,
        %parallel_loop3A_482 = arith.constant 29 : i32
        %parallel_loop3A_483 = vector.broadcast %parallel_loop3A_482 : i32 to vector<16xi32>
        %parallel_loop3A_484 = arith.addi %iota3A, %parallel_loop3A_483 : vector<16xi32>
        %parallel_loop3A_485 = arith.constant 31 : i32
        %parallel_loop3A_486 = vector.broadcast %parallel_loop3A_485 : i32 to vector<16xi32>
        %parallel_loop3A_487 = arith.andi %parallel_loop3A_484, %parallel_loop3A_486 : vector<16xi32>
        %parallel_loop3A_488 = arith.addi %parallel_loop3A_129, %parallel_loop3A_487 : vector<16xi32>
        %parallel_loop3A_489 = tpu.vector_load_idx %arg7[%parallel_loop3A_488] : memref<62400xf32, #tpu.memory_space<vmem>>[vector<16xi32>], vector<16xf32>,
        %parallel_loop3A_490 = arith.addi %parallel_loop3A_133, %parallel_loop3A_487 : vector<16xi32>
        %parallel_loop3A_491 = arith.constant 0 : i32
        %parallel_loop3A_492 = tpu.memref_slice %arg6[%rem3A_73, %parallel_loop3A_491] : memref<2x25600xf32, #tpu.memory_space<vmem>> -> memref<1x25600xf32, #tpu.memory_space<vmem>>
        %parallel_loop3A_493 = tpu.memref_squeeze %parallel_loop3A_492 : memref<1x25600xf32, #tpu.memory_space<vmem>> -> memref<25600xf32, #tpu.memory_space<vmem>>
        tpu.vector_store_idx %parallel_loop3A_493[%parallel_loop3A_490], %parallel_loop3A_489 : memref<25600xf32, #tpu.memory_space<vmem>>[vector<16xi32>], vector<16xf32>,
        %parallel_loop3A_494 = arith.constant 30 : i32
        %parallel_loop3A_495 = vector.broadcast %parallel_loop3A_494 : i32 to vector<16xi32>
        %parallel_loop3A_496 = arith.addi %iota3A, %parallel_loop3A_495 : vector<16xi32>
        %parallel_loop3A_497 = arith.constant 31 : i32
        %parallel_loop3A_498 = vector.broadcast %parallel_loop3A_497 : i32 to vector<16xi32>
        %parallel_loop3A_499 = arith.andi %parallel_loop3A_496, %parallel_loop3A_498 : vector<16xi32>
        %parallel_loop3A_500 = arith.addi %parallel_loop3A_129, %parallel_loop3A_499 : vector<16xi32>
        %parallel_loop3A_501 = tpu.vector_load_idx %arg7[%parallel_loop3A_500] : memref<62400xf32, #tpu.memory_space<vmem>>[vector<16xi32>], vector<16xf32>,
        %parallel_loop3A_502 = arith.addi %parallel_loop3A_133, %parallel_loop3A_499 : vector<16xi32>
        %parallel_loop3A_503 = arith.constant 0 : i32
        %parallel_loop3A_504 = tpu.memref_slice %arg6[%rem3A_73, %parallel_loop3A_503] : memref<2x25600xf32, #tpu.memory_space<vmem>> -> memref<1x25600xf32, #tpu.memory_space<vmem>>
        %parallel_loop3A_505 = tpu.memref_squeeze %parallel_loop3A_504 : memref<1x25600xf32, #tpu.memory_space<vmem>> -> memref<25600xf32, #tpu.memory_space<vmem>>
        tpu.vector_store_idx %parallel_loop3A_505[%parallel_loop3A_502], %parallel_loop3A_501 : memref<25600xf32, #tpu.memory_space<vmem>>[vector<16xi32>], vector<16xf32>,
        %parallel_loop3A_506 = arith.constant 31 : i32
        %parallel_loop3A_507 = vector.broadcast %parallel_loop3A_506 : i32 to vector<16xi32>
        %parallel_loop3A_508 = arith.addi %iota3A, %parallel_loop3A_507 : vector<16xi32>
        %parallel_loop3A_509 = arith.constant 31 : i32
        %parallel_loop3A_510 = vector.broadcast %parallel_loop3A_509 : i32 to vector<16xi32>
        %parallel_loop3A_511 = arith.andi %parallel_loop3A_508, %parallel_loop3A_510 : vector<16xi32>
        %parallel_loop3A_512 = arith.addi %parallel_loop3A_129, %parallel_loop3A_511 : vector<16xi32>
        %parallel_loop3A_513 = tpu.vector_load_idx %arg7[%parallel_loop3A_512] : memref<62400xf32, #tpu.memory_space<vmem>>[vector<16xi32>], vector<16xf32>,
        %parallel_loop3A_514 = arith.addi %parallel_loop3A_133, %parallel_loop3A_511 : vector<16xi32>
        %parallel_loop3A_515 = arith.constant 0 : i32
        %parallel_loop3A_516 = tpu.memref_slice %arg6[%rem3A_73, %parallel_loop3A_515] : memref<2x25600xf32, #tpu.memory_space<vmem>> -> memref<1x25600xf32, #tpu.memory_space<vmem>>
        %parallel_loop3A_517 = tpu.memref_squeeze %parallel_loop3A_516 : memref<1x25600xf32, #tpu.memory_space<vmem>> -> memref<25600xf32, #tpu.memory_space<vmem>>
        tpu.vector_store_idx %parallel_loop3A_517[%parallel_loop3A_514], %parallel_loop3A_513 : memref<25600xf32, #tpu.memory_space<vmem>>[vector<16xi32>], vector<16xf32>,
      } {sc.loop_unroll_factor = 2 : i64, sc.parallel_access}
      %add3A_91 = arith.constant 2 : i32
      %add3A_92 = arith.addi %scan3A_71, %add3A_91 : i32
      %lt3A = arith.constant 32 : i32
      %lt3A_93 = arith.cmpi slt, %add3A_92, %lt3A : i32
      %convert_element_type3A_94 = arith.extui %lt3A_93 : i1 to i32
      %cond3A_95 = arith.constant 0 : i32
      %cond3A_96 = arith.cmpi ne, %convert_element_type3A_94, %cond3A_95 : i32
      scf.if %cond3A_96 {
        %add3A_109 = arith.constant 2 : i32
        %add3A_110 = arith.addi %scan3A_71, %add3A_109 : i32
        %rem3A_111 = arith.constant 2 : i32
        %rem3A_112 = arith.remsi %add3A_110, %rem3A_111 : i32
        %mul3A_113 = arith.constant 800 : i32
        %mul3A_114 = arith.muli %add3A_110, %mul3A_113 : i32
        %add3A_115 = arith.addi %mul3A_2, %mul3A_114 : i32
        %dma_start3A_116 = arith.constant 0 : i32
        %dma_start3A_117 = tpu.memref_slice %arg5[%rem3A_112, %dma_start3A_116] : memref<2x800xi32, #tpu.memory_space<vmem>> -> memref<1x800xi32, #tpu.memory_space<vmem>>
        %dma_start3A_118 = tpu.memref_squeeze %dma_start3A_117 : memref<1x800xi32, #tpu.memory_space<vmem>> -> memref<800xi32, #tpu.memory_space<vmem>>
        %dma_start3A_119 = tpu.memref_slice %arg2[%add3A_115] : memref<819200xi32, #tpu.memory_space<hbm>> -> memref<800xi32, #tpu.memory_space<hbm>>
        %dma_start3A_120 = tpu.memref_slice %arg8[%rem3A_112] : memref<2x!tpu.dma_semaphore, #tpu.memory_space<semaphore_mem>> -> memref<1x!tpu.dma_semaphore, #tpu.memory_space<semaphore_mem>>
        %dma_start3A_121 = tpu.memref_squeeze %dma_start3A_120 : memref<1x!tpu.dma_semaphore, #tpu.memory_space<semaphore_mem>> -> memref<!tpu.dma_semaphore, #tpu.memory_space<semaphore_mem>>
        %dma_start3A_122 = arith.constant 0 : i32
        %dma_start3A_123 = tpu.memref_slice %arg5[%rem3A_112, %dma_start3A_122] : memref<2x800xi32, #tpu.memory_space<vmem>> -> memref<1x800xi32, #tpu.memory_space<vmem>>
        %dma_start3A_124 = tpu.memref_squeeze %dma_start3A_123 : memref<1x800xi32, #tpu.memory_space<vmem>> -> memref<800xi32, #tpu.memory_space<vmem>>
        %dma_start3A_125 = tpu.memref_slice %arg2[%add3A_115] : memref<819200xi32, #tpu.memory_space<hbm>> -> memref<800xi32, #tpu.memory_space<hbm>>
        tpu.enqueue_dma source(%dma_start3A_125 : memref<800xi32, #tpu.memory_space<hbm>>) target(%dma_start3A_124 : memref<800xi32, #tpu.memory_space<vmem>>) target_semaphore(%dma_start3A_121 : memref<!tpu.dma_semaphore, #tpu.memory_space<semaphore_mem>>)
      } else {
      }
      %mul3A_97 = arith.constant 32 : i32
      %mul3A_98 = arith.muli %add3A_76, %mul3A_97 : i32
      %dma_start3A_99 = arith.constant 0 : i32
      %dma_start3A_100 = tpu.memref_slice %arg6[%rem3A_73, %dma_start3A_99] : memref<2x25600xf32, #tpu.memory_space<vmem>> -> memref<1x25600xf32, #tpu.memory_space<vmem>>
      %dma_start3A_101 = tpu.memref_squeeze %dma_start3A_100 : memref<1x25600xf32, #tpu.memory_space<vmem>> -> memref<25600xf32, #tpu.memory_space<vmem>>
      %dma_start3A_102 = tpu.memref_slice %arg4[%mul3A_98] : memref<26214400xf32, #tpu.memory_space<hbm>> -> memref<25600xf32, #tpu.memory_space<hbm>>
      %dma_start3A_103 = tpu.memref_slice %arg9[%rem3A_73] : memref<2x!tpu.dma_semaphore, #tpu.memory_space<semaphore_mem>> -> memref<1x!tpu.dma_semaphore, #tpu.memory_space<semaphore_mem>>
      %dma_start3A_104 = tpu.memref_squeeze %dma_start3A_103 : memref<1x!tpu.dma_semaphore, #tpu.memory_space<semaphore_mem>> -> memref<!tpu.dma_semaphore, #tpu.memory_space<semaphore_mem>>
      %dma_start3A_105 = tpu.memref_slice %arg4[%mul3A_98] : memref<26214400xf32, #tpu.memory_space<hbm>> -> memref<25600xf32, #tpu.memory_space<hbm>>
      %dma_start3A_106 = arith.constant 0 : i32
      %dma_start3A_107 = tpu.memref_slice %arg6[%rem3A_73, %dma_start3A_106] : memref<2x25600xf32, #tpu.memory_space<vmem>> -> memref<1x25600xf32, #tpu.memory_space<vmem>>
      %dma_start3A_108 = tpu.memref_squeeze %dma_start3A_107 : memref<1x25600xf32, #tpu.memory_space<vmem>> -> memref<25600xf32, #tpu.memory_space<vmem>>
      tpu.enqueue_dma source(%dma_start3A_108 : memref<25600xf32, #tpu.memory_space<vmem>>) target(%dma_start3A_105 : memref<25600xf32, #tpu.memory_space<hbm>>) target_semaphore(%dma_start3A_104 : memref<!tpu.dma_semaphore, #tpu.memory_space<semaphore_mem>>)
    }
    %scan3A_37 = arith.constant 32 : i32
    %rem3A_38 = arith.constant 30 : i32
    %rem3A_39 = arith.constant 2 : i32
    %rem3A_40 = arith.remsi %rem3A_38, %rem3A_39 : i32
    %add3A_41 = arith.constant 24000 : i32
    %add3A_42 = arith.addi %mul3A_2, %add3A_41 : i32
    %mul3A_43 = arith.constant 32 : i32
    %mul3A_44 = arith.muli %add3A_42, %mul3A_43 : i32
    %dma_wait3A = arith.constant 0 : i32
    %dma_wait3A_45 = tpu.memref_slice %arg6[%rem3A_40, %dma_wait3A] : memref<2x25600xf32, #tpu.memory_space<vmem>> -> memref<1x25600xf32, #tpu.memory_space<vmem>>
    %dma_wait3A_46 = tpu.memref_squeeze %dma_wait3A_45 : memref<1x25600xf32, #tpu.memory_space<vmem>> -> memref<25600xf32, #tpu.memory_space<vmem>>
    %dma_wait3A_47 = tpu.memref_slice %arg4[%mul3A_44] : memref<26214400xf32, #tpu.memory_space<hbm>> -> memref<25600xf32, #tpu.memory_space<hbm>>
    %dma_wait3A_48 = tpu.memref_slice %arg9[%rem3A_40] : memref<2x!tpu.dma_semaphore, #tpu.memory_space<semaphore_mem>> -> memref<1x!tpu.dma_semaphore, #tpu.memory_space<semaphore_mem>>
    %dma_wait3A_49 = tpu.memref_squeeze %dma_wait3A_48 : memref<1x!tpu.dma_semaphore, #tpu.memory_space<semaphore_mem>> -> memref<!tpu.dma_semaphore, #tpu.memory_space<semaphore_mem>>
    %dma_wait3A_50 = tpu.memref_slice %arg4[%mul3A_44] : memref<26214400xf32, #tpu.memory_space<hbm>> -> memref<25600xf32, #tpu.memory_space<hbm>>
    %dma_wait3A_51 = arith.constant 0 : i32
    %dma_wait3A_52 = tpu.memref_slice %arg6[%rem3A_40, %dma_wait3A_51] : memref<2x25600xf32, #tpu.memory_space<vmem>> -> memref<1x25600xf32, #tpu.memory_space<vmem>>
    %dma_wait3A_53 = tpu.memref_squeeze %dma_wait3A_52 : memref<1x25600xf32, #tpu.memory_space<vmem>> -> memref<25600xf32, #tpu.memory_space<vmem>>
    tpu.wait_dma2 semaphore(%dma_wait3A_49 : memref<!tpu.dma_semaphore, #tpu.memory_space<semaphore_mem>>) src(%dma_wait3A_53 : memref<25600xf32, #tpu.memory_space<vmem>>) dst(%dma_wait3A_50 : memref<25600xf32, #tpu.memory_space<hbm>>)
    %rem3A_54 = arith.constant 31 : i32
    %rem3A_55 = arith.constant 2 : i32
    %rem3A_56 = arith.remsi %rem3A_54, %rem3A_55 : i32
    %add3A_57 = arith.constant 24800 : i32
    %add3A_58 = arith.addi %mul3A_2, %add3A_57 : i32
    %mul3A_59 = arith.constant 32 : i32
    %mul3A_60 = arith.muli %add3A_58, %mul3A_59 : i32
    %dma_wait3A_61 = arith.constant 0 : i32
    %dma_wait3A_62 = tpu.memref_slice %arg6[%rem3A_56, %dma_wait3A_61] : memref<2x25600xf32, #tpu.memory_space<vmem>> -> memref<1x25600xf32, #tpu.memory_space<vmem>>
    %dma_wait3A_63 = tpu.memref_squeeze %dma_wait3A_62 : memref<1x25600xf32, #tpu.memory_space<vmem>> -> memref<25600xf32, #tpu.memory_space<vmem>>
    %dma_wait3A_64 = tpu.memref_slice %arg4[%mul3A_60] : memref<26214400xf32, #tpu.memory_space<hbm>> -> memref<25600xf32, #tpu.memory_space<hbm>>
    %dma_wait3A_65 = tpu.memref_slice %arg9[%rem3A_56] : memref<2x!tpu.dma_semaphore, #tpu.memory_space<semaphore_mem>> -> memref<1x!tpu.dma_semaphore, #tpu.memory_space<semaphore_mem>>
    %dma_wait3A_66 = tpu.memref_squeeze %dma_wait3A_65 : memref<1x!tpu.dma_semaphore, #tpu.memory_space<semaphore_mem>> -> memref<!tpu.dma_semaphore, #tpu.memory_space<semaphore_mem>>
    %dma_wait3A_67 = tpu.memref_slice %arg4[%mul3A_60] : memref<26214400xf32, #tpu.memory_space<hbm>> -> memref<25600xf32, #tpu.memory_space<hbm>>
    %dma_wait3A_68 = arith.constant 0 : i32
    %dma_wait3A_69 = tpu.memref_slice %arg6[%rem3A_56, %dma_wait3A_68] : memref<2x25600xf32, #tpu.memory_space<vmem>> -> memref<1x25600xf32, #tpu.memory_space<vmem>>
    %dma_wait3A_70 = tpu.memref_squeeze %dma_wait3A_69 : memref<1x25600xf32, #tpu.memory_space<vmem>> -> memref<25600xf32, #tpu.memory_space<vmem>>
    tpu.wait_dma2 semaphore(%dma_wait3A_66 : memref<!tpu.dma_semaphore, #tpu.memory_space<semaphore_mem>>) src(%dma_wait3A_70 : memref<25600xf32, #tpu.memory_space<vmem>>) dst(%dma_wait3A_67 : memref<25600xf32, #tpu.memory_space<hbm>>)
    return
  }
}

</mosaic_0001>

<sc_bundles>
// kernel: kernel.3.cloned.1.call-start
scs
__scs_entry_jumppad:
0x0: {  	(pc) =	sbr.rel $0x88, $3  }
0x1: {  	(tag) =	ssettag $0x0;
	lr =	simm.s32 $0x1  }
0x2: {  	[smem:$0x3F9E] =	sst lr;
	_ =	strace $0xD0000000  }
0x3: {  	_ = 	snop  }
0x4: {  	_ = 	snop  }
0x5: {  	_ = 	snop  }
0x6: {  	_ = 	snop  }
0x7: {  	_ = 	snop  }
__scs_overlays_trampoline_lowered:
0x8: {  	[smem:$0x3FAD] =	sst s0  }
0x9: {  	[smem:$0x3FAE] =	sst s1  }
0xa: {  	[smem:$0x3FAF] =	sst s2  }
0xb: {  	[smem:$0x3FB0] =	sst s3  }
0xc: {  	[smem:$0x3FB1] =	sst s4  }
0xd: {  	[smem:$0x3FB2] =	sst s5  }
0xe: {  	[smem:$0x3FB3] =	sst s6  }
0xf: {  	[smem:$0x3FB4] =	sst s7  }
0x10: {  	[smem:$0x3FB5] =	sst s8  }
0x11: {  	[smem:$0x3FB6] =	sst s9;
	s0 =	simm.s32 @!p0 $0x0  }
0x12: {  	s1 =	sld [smem:$0x3F9C];
	s0 =	simm.s32 @p0 $0x1  }
0x13: {  	[smem:$0x3FB7] =	sst s0;
	s0 =	simm.s32 @!p1 $0x0  }
0x14: {  	s2 =	sld [smem:$0x3F9B];
	s0 =	simm.s32 @p1 $0x1  }
0x15: {  	[smem:$0x3FB8] =	sst s0;
	s0 =	simm.s32 @!p2 $0x0  }
0x16: {  	s3 =	sld [smem:$0x3FDB];
	s0 =	simm.s32 @p2 $0x1  }
0x17: {  	s4 =	simm.s32 $0x1BF5;
	[smem:$0x3FBA] =	sst s0  }
0x18: {  	s0 =	sld [smem:$0x3F9D];
	_ =	swait.ge [sflag:s4], $0x0  }
0x19: {  	s7 =	sld [smem:$0x3F9E]  }
0x1a: {  	s8 =	sadd.s32 $0xFFFFE003, lr  }
0x1b: {  	s9 =	sadd.s32 $0xFFFFFEF7, lr;
	s5 =	simm.s32 $0xFFFFFFFF;
	p2 =	slt.u32 s8, $0xFFFFF086  }
0x1c: {  	p1 =	slt.u32 s9, $0xF7A;
	s5 =	simm.s32 @!p2 $0x0  }
0x1d: {  	s5 =	simm.s32 @p1 $0x1;
	p0 =	seq.s32 s7, s2  }
0x1e: {  	s7 =	smul.u32 @!p0 $0xF7A, s2;
	p2 =	seq.s32 @!p0 s5, $0x0  }
0x1f: {  	s9 =	smul.u32 $0xF7A, s1;
	s8 =	simm.s32 @!p0 $0x1BF5;
	p2 =	por !p2, p0  }
0x20: {  	[sflag:s8] =	ssyncset.s32 @!p0 $0xFFFFF086;
	s6 =	sadd.s32 @!p0 s3, s7;
	s7 =	simm.s32 @!p0 $0x108  }
0x21: {  	s3 =	sadd.s32 s3, s9;
	s6 =	sadd.s32 @!p0 $0x88, s6;
	s7 =	simm.s32 @p2 $0x1082  }
0x22: {  	[simem:s7], [sflag:s8] =	dma.local @!p0 [hbm:s6], $0xF7A  }
0x23: {  	s9 =	sor.u32 $0xD0000000, s2;
	s6 =	simm.s32 $0x108;
	_ =	swait.ge @!p0 [sflag:s8], $0x0  }
0x24: {  	s3 =	sadd.s32 $0x88, s3;
	s6 =	simm.s32 @!p1 $0x1082;
	[sflag:s4] =	ssyncset.s32 $0xFFFFF086  }
0x25: {  	[simem:s6], [sflag:s4] =	dma.local [hbm:s3], $0xF7A  }
0x26: {  	[smem:$0x3F9E] =	sst s1;
	(tag) =	ssettag s2;
	_ =	strace s9  }
0x27: {  	s1 =	sld [smem:$0x3FAE]  }
0x28: {  	s2 =	sld [smem:$0x3FAF]  }
0x29: {  	s4 =	sld [smem:$0x3FB1]  }
0x2a: {  	p0 =	seq.s32 s5, $0x0;
	s5 =	sld [smem:$0x3FB2]  }
0x2b: {  	s6 =	sld [smem:$0x3FB3]  }
0x2c: {  	s7 =	sld [smem:$0x3FB4]  }
0x2d: {  	s3 =	simm.s32 $0x108;
	s8 =	sld [smem:$0x3FB5]  }
0x2e: {  	s3 =	simm.s32 @!p0 $0x1082;
	s9 =	sld [smem:$0x3FB6]  }
0x2f: {  	lr =	sadd.s32 s0, s3;
	s0 =	sld [smem:$0x3FAD]  }
0x30: {  	s3 =	sld [smem:$0x3FB0]  }
0x31: {  	[smem:$0x3FB9] =	sst s10  }
0x32: {  	s10 =	sld [smem:$0x3FB7];
	_ =	sdelay $0x3  }
0x33: {  	p0 =	seq.s32 s10, $0x1;
	s10 =	sld [smem:$0x3FB9];
	_ =	sdelay $0x3  }
0x34: {  	[smem:$0x3FB9] =	sst s10  }
0x35: {  	s10 =	sld [smem:$0x3FB8];
	_ =	sdelay $0x3  }
0x36: {  	p1 =	seq.s32 s10, $0x1;
	s10 =	sld [smem:$0x3FB9];
	_ =	sdelay $0x3  }
0x37: {  	[smem:$0x3FB9] =	sst s10  }
0x38: {  	s10 =	sld [smem:$0x3FBA]  }
0x39: {  	_ = 	snop;
	(pc) =	sbr.ind lr, $3  }
0x3a: {  	_ = 	snop  }
0x3b: {  	_ = 	snop  }
0x3c: {  	p2 =	seq.s32 s10, $0x1;
	s10 =	sld [smem:$0x3FB9]  }
0x3d: {  	_ =	shalt  }
0x3e: {  	_ =	shalt  }
0x3f: {  	_ =	shalt  }
0x40: {  	_ =	shalt  }
0x41: {  	_ =	shalt  }
0x42: {  	_ =	shalt  }
0x43: {  	_ =	shalt  }
0x44: {  	_ =	shalt  }
0x45: {  	_ =	shalt  }
0x46: {  	_ =	shalt  }
0x47: {  	_ =	shalt  }
0x48: {  	_ =	shalt  }
0x49: {  	_ =	shalt  }
0x4a: {  	_ =	shalt  }
0x4b: {  	_ =	shalt  }
0x4c: {  	_ =	shalt  }
0x4d: {  	_ =	shalt  }
0x4e: {  	_ =	shalt  }
0x4f: {  	_ =	shalt  }
0x50: {  	_ =	shalt  }
0x51: {  	_ =	shalt  }
0x52: {  	_ =	shalt  }
0x53: {  	_ =	shalt  }
0x54: {  	_ =	shalt  }
0x55: {  	_ =	shalt  }
0x56: {  	_ =	shalt  }
0x57: {  	_ =	shalt  }
0x58: {  	_ =	shalt  }
0x59: {  	_ =	shalt  }
0x5a: {  	_ =	shalt  }
0x5b: {  	_ =	shalt  }
0x5c: {  	_ =	shalt  }
0x5d: {  	_ =	shalt  }
0x5e: {  	_ =	shalt  }
0x5f: {  	_ =	shalt  }
0x60: {  	_ =	shalt  }
0x61: {  	_ =	shalt  }
0x62: {  	_ =	shalt  }
0x63: {  	_ =	shalt  }
0x64: {  	_ =	shalt  }
0x65: {  	_ =	shalt  }
0x66: {  	_ =	shalt  }
0x67: {  	_ =	shalt  }
0x68: {  	_ =	shalt  }
0x69: {  	_ =	shalt  }
0x6a: {  	_ =	shalt  }
0x6b: {  	_ =	shalt  }
0x6c: {  	_ =	shalt  }
0x6d: {  	_ =	shalt  }
0x6e: {  	_ =	shalt  }
0x6f: {  	_ =	shalt  }
0x70: {  	_ =	shalt  }
0x71: {  	_ =	shalt  }
0x72: {  	_ =	shalt  }
0x73: {  	_ =	shalt  }
0x74: {  	_ =	shalt  }
0x75: {  	_ =	shalt  }
0x76: {  	_ =	shalt  }
0x77: {  	_ =	shalt  }
0x78: {  	_ =	shalt  }
0x79: {  	_ =	shalt  }
0x7a: {  	_ =	shalt  }
0x7b: {  	_ =	shalt  }
0x7c: {  	_ =	shalt  }
0x7d: {  	_ =	shalt  }
0x7e: {  	_ =	shalt  }
0x7f: {  	_ =	shalt  }
0x80: {  	_ =	shalt  }
0x81: {  	_ =	shalt  }
0x82: {  	_ =	shalt  }
0x83: {  	_ =	shalt  }
0x84: {  	_ =	shalt  }
0x85: {  	_ =	shalt  }
0x86: {  	_ =	shalt  }
0x87: {  	_ =	shalt  }
.Lfunc_end0:
.L_simem_size_0:
called_computation.1_lowered:
.L_overlay_start_0:
0x88: {  	s2 =	sld [smem:$0x3FD9]  }
0x89: {  	s3 =	sld [smem:$0x3FFE];
	_ =	sdelay $0x1  }
0x8a: {  	s1 =	srdreg.scid  }
0x8b: {  	s0 =	sand.u32 $0x1, s1  }
0x8c: {  	s17 =	sshll.u32 s0, $0xA;
	s2 =	sadd.s32 s3, s2  }
0x8d: {  	s2 =	sadd.s32 s2, s17  }
0x8e: {  	[smem:$0x3FC5] =	sst s2  }
0x8f: {  	_ = 	snop  }
0x90: {  	s2 =	sld [smem:$0x3FD0];
	(tm) =	ssettm $0x1  }
0x91: {  	s18 =	sld [smem:$0x3FFB];
	_ =	sdelay $0x3  }
0x92: {  	_ =	strace s18  }
0x93: {  	s3 =	sld [smem:$0x3FFC];
	_ =	sdelay $0x3  }
0x94: {  	_ =	strace s3  }
0x95: {  	s3 =	sld [smem:$0x3FFD];
	_ =	sdelay $0x3  }
0x96: {  	_ =	strace s3  }
0x97: {  	_ =	strace $0x8FFFFFFF  }
0x98: {  	s19 =	sld [smem:$0x3FDB];
	_ =	sdelay $0x1  }
0x99: {  	s4 =	simm.s32 $_scs_section_size  }
0x9a: {  	s5 =	simm.s32 $_size__tile_overlayer_lowered;
	s6 =	simm.s32 $_tile_overlayer_lowered  }
0x9b: {  	s22 =	simm.s32 $0x1BFF;
	s21 =	sshll.u32 s6, $0x1;
	s3 =	sadd.s32 s4, s19  }
0x9c: {  	s7 =	simm.s32 $0x0;
	s20 =	sshll.u32 s5, $0x1;
	s5 =	sadd.s32 s21, s3  }
0x9d: {  	[timem:s7], [sflag:s22] =	dma.local [hbm:s5], s20  }
0x9e: {  	_ =	swait.ge [sflag:s22], s20  }
0x9f: {  	s4 =	ssub.s32 $0x0, s20;
	[sflag:s22] =	ssyncset.done $0x0  }
0xa0: {  	[sflag:s22] =	ssyncadd.s32 s4;
	_ =	sdelay $0x1  }
0xa1: {  	s23 =	simm.s32 $0x1B8B  }
0xa2: {  	_ =	swait.ge [sflag:s23], $0x1  }
0xa3: {  	[sflag:s23] =	ssyncset.done $0x0  }
0xa4: {  	s25 =	simm.s32 $0x1B8E;
	s24 =	sld [smem:$0x3FFE];
	[sflag:s23] =	ssyncadd.s32 $0xFFFFFFFF  }
0xa5: {  	s26 =	simm.s32 $execute0_lowered;
	[smem:$0x3FD2] =	sst s25  }
0xa6: {  	s5 =	sshll.u32 s26, $0x1;
	_ =	strace $0x80000046;
	[dreg:$0x1] =	wrdreg $0xFFFFFFFF  }
0xa7: {  	s28 =	simm.s32 $_size_execute0_lowered;
	s3 =	sadd.s32 s3, s5;
	[dreg:$0x0] =	wrdreg $0x0  }
0xa8: {  	s5 =	sshll.u32 s28, $0x1;
	[dreg:$0x2] =	wrdreg s3  }
0xa9: {  	[dreg:$0x3] =	wrdreg s5  }
0xaa: {  	[dreg:$0x4] =	wrdreg $0xC0  }
0xab: {  	_ =	task [dreg:s7], $0x5FFFF  }
0xac: {  	[dreg:$0x1] =	wrdreg $0xFFFFFFFF  }
0xad: {  	[dreg:$0x0] =	wrdreg $0x60  }
0xae: {  	[dreg:$0x2] =	wrdreg s24  }
0xaf: {  	[dreg:$0x3] =	wrdreg s2  }
0xb0: {  	[dreg:$0x4] =	wrdreg $0x9  }
0xb1: {  	_ =	task.clear_ibuf [dreg:s7], $0x5FFFF;
	_ =	strace $0x90000046  }
0xb2: {  	s29 =	simm.s32 $0x9;
	_ =	strace $0x80000048  }
0xb3: {  	_ =	swait.ge [sflag:s29], $0x1  }
0xb4: {  	[sflag:s29] =	ssyncadd.s32 $0xFFFFFFFF  }
0xb5: {  	_ =	strace $0x90000048  }
0xb6: {  	_ =	sfence  }
0xb7: {  	s30 =	sld [smem:$0x0];
	_ =	sdelay $0x2  }
0xb8: {  	s31 =	sshll.u32 s1, $0xD;
	s1 =	sshrl.u32 s1, $0x2  }
0xb9: {  	s3 =	sand.u32 $0x4000, s31;
	s1 =	sadd.s32 s1, s30  }
0xba: {  	s0 =	sor.u32 s3, s0;
	s1 =	sshll.u32 s1, $0x11  }
0xbb: {  	s0 =	sor.u32 s1, s0  }
0xbc: {  	s0 =	sadd.s32 $0x8F2B, s0  }
0xbd: {  	[sflag:s0] =	ssyncadd.remote.s32 $0x1  }
0xbe: {  	_ =	sfence.sel $0xFFFF  }
0xbf: {  	[dreg:$0x0] =	wrdreg $0xFFFFFFFF;
	(pc) =	sbr.abs _section_cstart, $3  }
0xc0: {  	[dreg:$0x1] =	wrdreg $0xFFFFFFFF  }
0xc1: {  	_ =	task.clear_ibuf [dreg:s7], $0x2FFFF;
	_ =	strace $0x9FFFFFFF  }
0xc2: {  	(tm) =	ssettm $0x7FFFFFFF  }
0xc3: {  	_ =	shalt  }
tec
execute0_lowered:
.L_overlay_start_1:
0x0: {  	(tag) =	ssettag $0x1  }
0x1: {  	v29 =	vlaneseq.u32;
	v13 =	vimm.s32 $0x14131211  }
0x2: {  	v1 =	vimm.s32 $0x18171615;
	v14 =	vimm.s32 $0x1C1B1A19;
	v21 =	vimm.s32 $0x1F1E1D  }
0x3: {  	v3 =	vimm.s32 $0x74533211;
	vm0 =	vcmask $0x1F10;
	vm1 =	vcmask $0xF00  }
0x4: {  	v25 =	vimm.s32 $0xF8D7B695;
	v26 =	vimm.s32 $0x19181716;
	v33 =	vimm.s32 $0x1D1C1B1A  }
0x5: {  	v34 =	vimm.s32 $0x75543312;
	v38 =	vimm.s32 $0xF9D8B796;
	v39 =	vimm.s32 $0x16151413  }
0x6: {  	v42 =	vimm.s32 $0x1A191817;
	v44 =	vimm.s32 $0x1E1D1C1B;
	v45 =	vimm.s32 $0x76553413  }
0x7: {  	v16 =	vimm.s32 $0xFAD9B897;
	v50 =	vimm.s32 $0x3020100;
	v52 =	vimm.s32 $0x1F1E1D1C  }
0x8: {  	v18 =	vimm.s32 $0x1B1A1918;
	v19 =	vimm.s32 $0x77563514;
	v20 =	vimm.s32 $0xFBDAB998  }
0x9: {  	vm2 =	vcmask $0x2F10;
	vm3 =	vcmask $0x3F30;
	vm5 =	vcmask $0x2320  }
0xa: {  	vm6 =	vcmask $0x2724;
	vm4 =	vcmask $0x2B28;
	vm12 =	vcmask $0x2F2C  }
0xb: {  	vm13 =	vcmask $0x3330;
	vm14 =	vcmask $0x3734;
	vm15 =	vcmask $0x3B38  }
0xc: {  	v22 =	vmul.u32 $0x21, v29;
	v58 =	vadd.s32 $0x2, v29;
	v60 =	vadd.s32 $0x3, v29  }
0xd: {  	v62 =	vadd.s32 $0x4, v29;
	v4 =	vadd.s32 $0x5, v29;
	v6 =	vadd.s32 $0x6, v29  }
0xe: {  	v8 =	vadd.s32 $0x7, v29;
	v9 =	vadd.s32 $0xB, v29;
	v11 =	vadd.s32 $0xC, v29  }
0xf: {  	v12 =	vadd.s32 $0xD, v29;
	v2 =	vadd.s32 $0xE, v29;
	v23 =	vunpack.c.0.s8.s32 v3  }
0x10: {  	v3 =	vunpack.c.0.s8.s32 v25;
	v37 =	vunpack.c.0.s8.s32 v34;
	v41 =	vunpack.c.0.s8.s32 v39  }
0x11: {  	v15 =	vunpack.c.0.s8.s32 v44;
	v16 =	vunpack.c.0.s8.s32 v16;
	v51 =	vunpack.c.0.s8.s32 v50;
	[tilespmem:$0x1FD30] =	vst v4  }
0x12: {  	v18 =	vunpack.c.0.s8.s32 v18;
	v19 =	vunpack.c.0.s8.s32 v19;
	v20 =	vunpack.c.0.s8.s32 v20;
	[tilespmem:$0x1FD70] =	vst v8  }
0x13: {  	v25 =	vimm.s32 $0x7A593817;
	[tilespmem:$0x1FDC0] =	vst v2;
	v2 =	vunpack.c.0.s8.s32 v21;
	v4 =	vimm.s32 $0x15141312  }
0x14: {  	[tilespmem:$0x1FD80] =	vst v9;
	v8 =	vunpack.c.0.s8.s32 v26;
	v9 =	vimm.s32 $0x1001F1E;
	v21 =	vimm.s32 $0x4030201  }
0x15: {  	[tilespmem:$0x1FD10] =	vst v62;
	v62 =	vimm.s32 $0xFCDBBA99;
	v0 =	vadd.s32 $0x1, v22;
	v59 =	vadd.s32 $0x2, v22  }
0x16: {  	v61 =	vadd.s32 $0x3, v22;
	v63 =	vadd.s32 $0x4, v22;
	v5 =	vadd.s32 $0x5, v22  }
0x17: {  	[tilespmem:$0x1FCD0] =	vst v58;
	v7 =	vadd.s32 $0x6, v22;
	v47 =	vadd.s32 $0x7, v22;
	v58 =	vadd.s32 $0x8, v22  }
0x18: {  	v48 =	vadd.s32 $0x9, v22;
	v55 =	vadd.s32 $0xA, v22;
	v10 =	vadd.s32 $0xB, v22  }
0x19: {  	v54 =	vadd.s32 $0xC, v22;
	v56 =	vadd.s32 $0xD, v22;
	v24 =	vadd.s32 $0xE, v22  }
0x1a: {  	[tilespmem:$0x1FD50] =	vst v6;
	v6 =	vunpack.c.0.s8.s32 v4;
	v4 =	vunpack.c.0.s8.s32 v9;
	v3 =	vand.u32 $0xFF, v3  }
0x1b: {  	v49 =	vand.u32 $0xFF, v16;
	v16 =	vimm.s32 $0x17161514;
	v53 =	vand.u32 $0xFF, v19;
	[tilespmem:$0x1FCC0] =	vst v0  }
0x1c: {  	v19 =	vand.u32 $0xFF, v20;
	v20 =	vimm.s32 $0x78573615;
	[tilespmem:$0x1FD40] =	vst v5;
	v0 =	vunpack.c.0.s8.s32 v13  }
0x1d: {  	[tilespmem:$0x1FD60] =	vst v7;
	v5 =	vunpack.c.0.s8.s32 v1;
	v7 =	vunpack.c.0.s8.s32 v14;
	v1 =	vand.u32 $0xFF, v23  }
0x1e: {  	[tilespmem:$0x1FD90] =	vst v10;
	v10 =	vunpack.c.0.s8.s32 v33;
	v13 =	vunpack.c.0.s8.s32 v42;
	v14 =	vimm.s32 $0x201001F  }
0x1f: {  	v16 =	vunpack.c.0.s8.s32 v16;
	v20 =	vunpack.c.0.s8.s32 v20;
	v35 =	vnsel vm1, $0x1E0, v1  }
0x20: {  	[tilespmem:$0x1FDA0] =	vst v11;
	v6 =	vsel vm0, v8, v6;
	v1 =	vand.u32 $0xFF, v37;
	v0 =	vsel vm0, v5, v0  }
0x21: {  	[tilespmem:$0x1FDB0] =	vst v12;
	v11 =	vsel vm0, v2, v7;
	v12 =	vsel vm0, v4, v10;
	v1 =	vnsel vm1, $0x1E1, v1  }
0x22: {  	v9 =	vsel vm0, v13, v41;
	v16 =	vsel vm0, v18, v16;
	v0 =	vcombine.low v0, v11  }
0x23: {  	[tilespmem:$0x1FCF0] =	vst v60;
	v60 =	vcombine.low v6, v12;
	v6 =	vunpack.c.0.s8.s32 v14;
	v14 =	vunpack.c.0.s8.s32 v45  }
0x24: {  	v7 =	vsel vm0, v7, v5;
	[tilespmem:$0x1FDE0] =	vst v0;
	v0 =	vsel vm0, v3, v35;
	v3 =	vunpack.c.0.s8.s32 v38  }
0x25: {  	v17 =	vsel vm0, v6, v15;
	v46 =	vand.u32 $0xFF, v14;
	v14 =	vunpack.c.0.s8.s32 v52  }
0x26: {  	[tilespmem:$0x1FD00] =	vst v61;
	v8 =	vsel vm0, v10, v8;
	v13 =	vsel vm0, v15, v13;
	v61 =	vcombine.low v9, v17  }
0x27: {  	v0 =	vsel vm5, $0x119, v0;
	v3 =	vand.u32 $0xFF, v3;
	v9 =	vsel vm0, v51, v14  }
0x28: {  	v0 =	vsel vm6, $0x13A, v0;
	v1 =	vsel vm0, v3, v1;
	v3 =	vnsel vm1, $0x1E2, v46  }
0x29: {  	v42 =	vcombine.low v16, v9;
	v16 =	vunpack.c.0.s8.s32 v21;
	v9 =	vnsel vm1, $0x1E3, v53  }
0x2a: {  	v21 =	vand.u32 $0xFF, v20;
	v20 =	vimm.s32 $0xFDDCBB9A;
	v0 =	vsel vm4, $0x15B, v0  }
0x2b: {  	v3 =	vsel vm0, v49, v3;
	v57 =	vsel vm0, v19, v9;
	v9 =	vnsel vm1, $0x1E4, v21  }
0x2c: {  	v19 =	vimm.s32 $0x79583716;
	v0 =	vsel vm12, $0x17C, v0;
	v1 =	vsel vm5, $0x11A, v1  }
0x2d: {  	v16 =	vsel vm0, v16, v2;
	v19 =	vunpack.c.0.s8.s32 v19;
	v3 =	vsel vm5, $0x11B, v3  }
0x2e: {  	v1 =	vsel vm6, $0x13B, v1;
	v0 =	vsel vm13, $0x19D, v0;
	v57 =	vsel vm5, $0x11C, v57  }
0x2f: {  	[tilespmem:$0x1FD20] =	vst v63;
	v63 =	vcombine.low v7, v16;
	v7 =	vunpack.c.0.s8.s32 v62;
	v16 =	vimm.s32 $0x5040302  }
0x30: {  	v3 =	vsel vm6, $0x13C, v3;
	v1 =	vsel vm4, $0x15C, v1;
	v0 =	vsel vm14, $0x1BE, v0  }
0x31: {  	[tilespmem:$0x1FDD0] =	vst v24;
	v16 =	vunpack.c.0.s8.s32 v16;
	v24 =	vand.u32 $0xFF, v19;
	v19 =	vimm.s32 $0x6050403  }
0x32: {  	v3 =	vsel vm4, $0x15D, v3;
	v1 =	vsel vm12, $0x17D, v1;
	v0 =	vsel vm15, $0x1DF, v0  }
0x33: {  	v7 =	vand.u32 $0xFF, v7;
	v10 =	vnsel vm1, $0x1E5, v24;
	v19 =	vunpack.c.0.s8.s32 v19  }
0x34: {  	v3 =	vsel vm12, $0x17E, v3;
	v1 =	vsel vm13, $0x19E, v1;
	[tilespmem:$0x1FE60] =	vst v0;
	v0 =	vsel vm6, $0x13D, v57  }
0x35: {  	v7 =	vsel vm0, v7, v9;
	v23 =	vsel vm0, v16, v4;
	v16 =	vunpack.c.0.s8.s32 v20  }
0x36: {  	v9 =	vunpack.c.0.s8.s32 v25;
	v20 =	vimm.s32 $0xE4C3A281;
	v3 =	vsel vm13, $0x19F, v3  }
0x37: {  	v1 =	vsel vm14, $0x1BF, v1;
	v0 =	vsel vm4, $0x15E, v0;
	v8 =	vcombine.low v8, v23  }
0x38: {  	v26 =	vsel vm0, v19, v6;
	v19 =	vimm.s32 $0xFFDEBD9C;
	v3 =	vsel vm14, $0x1A0, v3  }
0x39: {  	v52 =	vsel vm15, $0x1C0, v1;
	v0 =	vsel vm12, $0x17F, v0;
	v16 =	vand.u32 $0xFF, v16  }
0x3a: {  	v9 =	vand.u32 $0xFF, v9;
	v35 =	vunpack.c.0.s8.s32 v19;
	v19 =	vimm.s32 $0x98765432  }
0x3b: {  	v53 =	vsel vm15, $0x1C1, v3;
	v0 =	vsel vm13, $0x180, v0;
	[tilespmem:$0x1FDF0] =	vst v8;
	v8 =	vsel vm0, v16, v10  }
0x3c: {  	v16 =	vimm.s32 $0xFEDDBC9B;
	v10 =	vcombine.low v13, v26;
	v9 =	vnsel vm1, $0x1E6, v9  }
0x3d: {  	v19 =	vunpack.c.l.s4.s8 v19;
	v0 =	vsel vm14, $0x1A1, v0;
	v15 =	vunpack.c.0.s8.s32 v16  }
0x3e: {  	v16 =	vimm.s32 $0x76543210;
	v23 =	vsel vm5, $0x11E, v8;
	v0 =	vsel vm15, $0x1C2, v0  }
0x3f: {  	v33 =	vunpack.c.l.s4.s8 v16;
	v16 =	vimm.s32 $0x7B5A3918;
	v3 =	vsel vm6, $0x13F, v23  }
0x40: {  	v34 =	vand.u32 $0xFF, v15;
	v15 =	vsel vm0, v14, v18;
	v18 =	vimm.s32 $0x87654321  }
0x41: {  	[tilespmem:$0x1FE00] =	vst v10;
	v16 =	vunpack.c.0.s8.s32 v16;
	v3 =	vsel vm4, $0x140, v3;
	v10 =	vunpack.c.0.s8.s32 v33  }
0x42: {  	v18 =	vunpack.c.l.s4.s8 v18;
	v9 =	vsel vm0, v34, v9;
	v3 =	vsel vm12, $0x161, v3  }
0x43: {  	v37 =	vand.u32 $0xFF, v16;
	v16 =	vimm.s32 $0x7C5B3A19;
	v3 =	vsel vm13, $0x182, v3  }
0x44: {  	v33 =	vsel vm5, $0x11F, v9;
	v10 =	vcombine.low v15, v10;
	v15 =	vunpack.c.0.s8.s32 v18  }
0x45: {  	v13 =	vnsel vm1, $0x1E7, v37;
	v16 =	vunpack.c.0.s8.s32 v16;
	v18 =	vimm.s32 $0xE0DFBE9D  }
0x46: {  	[tilespmem:$0x1FE90] =	vst v0;
	v3 =	vsel vm14, $0x1A3, v3;
	v0 =	vsel vm6, $0x120, v33;
	v18 =	vunpack.c.0.s8.s32 v18  }
0x47: {  	v25 =	vsel vm15, $0x1C4, v3;
	v0 =	vsel vm4, $0x141, v0;
	[tilespmem:$0x1FE10] =	vst v10;
	v10 =	vand.u32 $0xFF, v35  }
0x48: {  	v15 =	vand.u32 $0xF, v15;
	v16 =	vand.u32 $0xFF, v16;
	v0 =	vsel vm12, $0x162, v0  }
0x49: {  	v10 =	vsel vm0, v10, v13;
	v11 =	vcombine.low v11, v15;
	v38 =	vnsel vm1, $0x1E8, v16  }
0x4a: {  	v39 =	vand.u32 $0xFF, v18;
	v15 =	vunpack.c.0.s8.s32 v19;
	v16 =	vimm.s32 $0x7D5C3B1A  }
0x4b: {  	v18 =	vimm.s32 $0xE1C0BF9E;
	v19 =	vimm.s32 $0xE2C1A09F;
	v0 =	vsel vm13, $0x183, v0  }
0x4c: {  	v41 =	vunpack.c.0.s8.s32 v16;
	v16 =	vimm.s32 $0xA9876543;
	v45 =	vunpack.c.0.s8.s32 v18  }
0x4d: {  	v18 =	vimm.s32 $0x32107654;
	v19 =	vunpack.c.0.s8.s32 v19;
	v34 =	vsel vm5, $0x100, v10  }
0x4e: {  	v0 =	vsel vm14, $0x1A4, v0;
	[tilespmem:$0x1FE20] =	vst v11;
	v11 =	vsel vm0, v39, v38;
	v15 =	vand.u32 $0xF, v15  }
0x4f: {  	v16 =	vunpack.c.l.s4.s8 v16;
	v18 =	vunpack.c.l.s4.s8 v18;
	v0 =	vsel vm15, $0x1C5, v0  }
0x50: {  	v12 =	vcombine.low v12, v15;
	v44 =	vand.u32 $0xFF, v41;
	v13 =	vand.u32 $0xFF, v45  }
0x51: {  	v35 =	vsel vm5, $0x101, v11;
	v15 =	vunpack.c.0.s8.s32 v16;
	v16 =	vimm.s32 $0x7E5D3C1B  }
0x52: {  	v18 =	vunpack.c.0.s8.s32 v18;
	v3 =	vsel vm6, $0x122, v35;
	v16 =	vunpack.c.0.s8.s32 v16  }
0x53: {  	[tilespmem:$0x1FE30] =	vst v12;
	v12 =	vnsel vm1, $0x1E9, v44;
	v3 =	vsel vm4, $0x143, v3;
	v15 =	vand.u32 $0xF, v15  }
0x54: {  	v12 =	vsel vm0, v13, v12;
	v3 =	vsel vm12, $0x164, v3;
	v16 =	vand.u32 $0xFF, v16  }
0x55: {  	v39 =	vcombine.low v17, v15;
	v15 =	vand.u32 $0xFF, v19;
	v17 =	vimm.s32 $0x43218765  }
0x56: {  	v19 =	vimm.s32 $0xE3C2A180;
	v3 =	vsel vm13, $0x185, v3;
	v41 =	vsel vm5, $0x102, v12  }
0x57: {  	v46 =	vnsel vm1, $0x1EA, v16;
	v16 =	vand.u32 $0xF, v18;
	v18 =	vimm.s32 $0xB0A0908  }
0x58: {  	v17 =	vunpack.c.l.s4.s8 v17;
	v19 =	vunpack.c.0.s8.s32 v19;
	v3 =	vsel vm14, $0x1A6, v3  }
0x59: {  	[tilespmem:$0x1FEC0] =	vst v0;
	v0 =	vsel vm6, $0x123, v41;
	v14 =	vsel vm2, v16, v14;
	v16 =	vimm.s32 $0x7F5E3D1C  }
0x5a: {  	v18 =	vunpack.c.0.s8.s32 v18;
	v13 =	vsel vm0, v15, v46;
	v38 =	vsel vm15, $0x1C7, v3  }
0x5b: {  	v0 =	vsel vm4, $0x144, v0;
	v16 =	vunpack.c.0.s8.s32 v16;
	v17 =	vunpack.c.0.s8.s32 v17  }
0x5c: {  	v15 =	vand.u32 $0xFF, v19;
	v19 =	vimm.s32 $0x605F3E1D;
	v44 =	vsel vm5, $0x103, v13  }
0x5d: {  	v0 =	vsel vm12, $0x165, v0;
	v14 =	vsel vm3, v18, v14;
	v18 =	vimm.s32 $0xC0B0A09  }
0x5e: {  	v19 =	vunpack.c.0.s8.s32 v19;
	v0 =	vsel vm13, $0x186, v0;
	v16 =	vand.u32 $0xFF, v16  }
0x5f: {  	v18 =	vunpack.c.0.s8.s32 v18;
	v0 =	vsel vm14, $0x1A7, v0;
	v49 =	vnsel vm1, $0x1EB, v16  }
0x60: {  	v16 =	vand.u32 $0xF, v17;
	v17 =	vimm.s32 $0x54329876;
	v50 =	vand.u32 $0xFF, v19  }
0x61: {  	v19 =	vadd.s32 $0xF, v22;
	v0 =	vsel vm15, $0x1C8, v0;
	v17 =	vunpack.c.l.s4.s8 v17  }
0x62: {  	[tilespmem:$0x1FE40] =	vst v14;
	v2 =	vsel vm2, v16, v2;
	v16 =	vunpack.c.0.s8.s32 v20;
	v14 =	vsel vm0, v15, v49  }
0x63: {  	v26 =	vsel vm3, v18, v2;
	v2 =	vnsel vm1, $0x1EC, v50;
	v18 =	vimm.s32 $0xD0C0B0A  }
0x64: {  	v45 =	vsel vm5, $0x104, v14;
	v17 =	vunpack.c.0.s8.s32 v17;
	v15 =	vand.u32 $0xFF, v16  }
0x65: {  	v18 =	vunpack.c.0.s8.s32 v18;
	v3 =	vsel vm6, $0x125, v45;
	v2 =	vsel vm0, v15, v2  }
0x66: {  	v15 =	vimm.s32 $0x61403F1E;
	v3 =	vsel vm4, $0x146, v3;
	v16 =	vand.u32 $0xF, v17  }
0x67: {  	v15 =	vunpack.c.0.s8.s32 v15;
	v17 =	vimm.s32 $0x6543A987;
	v3 =	vsel vm12, $0x167, v3  }
0x68: {  	v50 =	vsel vm5, $0x105, v2;
	v4 =	vsel vm2, v16, v4;
	v16 =	vimm.s32 $0xE5C4A382  }
0x69: {  	v17 =	vunpack.c.l.s4.s8 v17;
	v16 =	vunpack.c.0.s8.s32 v16;
	v15 =	vand.u32 $0xFF, v15  }
0x6a: {  	v62 =	vmovc v22;
	v4 =	vsel vm3, v18, v4;
	v18 =	vadd.s32 $0x10, v22;
	v22 =	vsel vm5, $0x11D, v7  }
0x6b: {  	v3 =	vsel vm13, $0x188, v3;
	v15 =	vnsel vm1, $0x1ED, v15;
	v1 =	vsel vm6, $0x13E, v22  }
0x6c: {  	[tilespmem:$0x1FEF0] =	vst v0;
	v17 =	vunpack.c.0.s8.s32 v17;
	v16 =	vand.u32 $0xFF, v16;
	v1 =	vsel vm4, $0x15F, v1  }
0x6d: {  	v0 =	vsel vm6, $0x126, v50;
	[tilespmem:$0x1FE50] =	vst v4;
	v4 =	vsel vm0, v16, v15;
	v1 =	vsel vm12, $0x160, v1  }
0x6e: {  	v15 =	vimm.s32 $0xE0D0C0B;
	v16 =	vand.u32 $0xF, v17;
	v1 =	vsel vm13, $0x181, v1  }
0x6f: {  	v17 =	vimm.s32 $0x6241201F;
	v15 =	vunpack.c.0.s8.s32 v15;
	v1 =	vsel vm14, $0x1A2, v1  }
0x70: {  	v6 =	vsel vm2, v16, v6;
	v24 =	vsel vm15, $0x1C3, v1;
	v1 =	vsel vm6, $0x121, v34  }
0x71: {  	v16 =	vunpack.c.0.s8.s32 v17;
	v17 =	vimm.s32 $0xE6C5A483;
	v1 =	vsel vm4, $0x142, v1  }
0x72: {  	v3 =	vsel vm14, $0x1A9, v3;
	v51 =	vunpack.c.0.s8.s32 v17;
	v1 =	vsel vm12, $0x163, v1  }
0x73: {  	[tilespmem:$0x1FCE0] =	vst v59;
	v21 =	vsel vm3, v15, v6;
	v15 =	vand.u32 $0xFF, v16;
	v1 =	vsel vm13, $0x184, v1  }
0x74: {  	[tilespmem:$0x1FE70] =	vst v52;
	v15 =	vnsel vm1, $0x1EE, v15;
	v6 =	vand.u32 $0xFF, v51;
	v1 =	vsel vm14, $0x1A5, v1  }
0x75: {  	[tilespmem:$0x1FE80] =	vst v53;
	v6 =	vsel vm0, v6, v15;
	v37 =	vsel vm15, $0x1C6, v1;
	v1 =	vsel vm6, $0x124, v44  }
0x76: {  	[tilespmem:$0x1FEB0] =	vst v25;
	v0 =	vsel vm4, $0x147, v0;
	v52 =	vsel vm5, $0x107, v6;
	v1 =	vsel vm4, $0x145, v1  }
0x77: {  	[tilespmem:$0x1FEE0] =	vst v38;
	v49 =	vsel vm15, $0x1CA, v3;
	v2 =	vsel vm6, $0x128, v52;
	v1 =	vsel vm12, $0x166, v1  }
0x78: {  	v0 =	vsel vm12, $0x168, v0;
	[tilespmem:$0x1FF10] =	vst v49;
	v2 =	vsel vm4, $0x149, v2;
	v1 =	vsel vm13, $0x187, v1  }
0x79: {  	v0 =	vsel vm13, $0x189, v0;
	[tilespmem:$0x1FEA0] =	vst v24;
	v2 =	vsel vm12, $0x16A, v2;
	v1 =	vsel vm14, $0x1A8, v1  }
0x7a: {  	s0 =	rddreg [dreg:$0x0];
	s3 =	simm.s32 $0x0;
	v0 =	vsel vm14, $0x1AA, v0;
	[tilespmem:$0x1FED0] =	vst v37;
	v2 =	vsel vm13, $0x18B, v2;
	v46 =	vsel vm15, $0x1C9, v1  }
0x7b: {  	[smem:$0x7FF] =	sst s3;
	v0 =	vsel vm15, $0x1CB, v0;
	v2 =	vsel vm14, $0x1AC, v2;
	[tilespmem:$0x1FF00] =	vst v46  }
0x7c: {  	s2 =	rddreg [dreg:$0x1];
	v57 =	vsel vm15, $0x1CD, v2;
	_ =	strace $0x80000047;
	[tilespmem:$0x1FF20] =	vst v0  }
0x7d: {  	v17 =	vor.u32 $0x10, v29;
	[tilespmem:$0x1FF30] =	vst v57  }
0x7e: {  	[tilespmem:$0x1FF50] =	vst v17  }
0x7f: {  	s1 =	srdreg.scid;
	s8 =	stileid.u32;
	[tilespmem:$0x1FF60] =	vst v21  }
0x80: {  	s1 =	sand.u32 $0x1, s1;
	s4 =	sshll.u32 s8, $0x1;
	[tilespmem:$0x1FF70] =	vst v19  }
0x81: {  	s4 =	sor.u32 s1, s4;
	[tilespmem:$0x1FF80] =	vst v18  }
0x82: {  	s12 =	simm.s32 $0xCE40;
	s4 =	smul.u32 $0x6400, s4;
	v51 =	vsel vm5, $0x106, v4;
	[tilespmem:$0x1FF90] =	vst v26  }
0x83: {  	s13 =	simm.s32 $0x5;
	s15 =	simm.s32 $0x3;
	s5 =	sadd.s32 $0x2800, s0;
	v1 =	vsel vm6, $0x127, v51;
	[tilespmem:$0x1FFA0] =	vst v39  }
0x84: {  	v43 =	vadd.s32 $0x8, v29;
	s8 =	smul.u32 $0xC800, s8;
	s0 =	sadd.s32 $0x800, s0;
	s6 =	sshrl.u32 s4, $0x3;
	v1 =	vsel vm4, $0x148, v1;
	[tilespmem:$0x1FFB0] =	vst v47  }
0x85: {  	s7 =	ssub.s32 $0x2, s1;
	s1 =	smul.u32 $0x6400, s1;
	s6 =	sadd.s32 s5, s6;
	v1 =	vsel vm12, $0x169, v1;
	[tilespmem:$0x1FFC0] =	vst v43  }
0x86: {  	s9 =	sshrl.u32 s7, $0x1;
	s30 =	sadd.s32 $0x64, s6;
	[dreg:$0x3] =	wrdreg s0;
	[tilespmem:$0x1FFD0] =	vst v55;
	v1 =	vsel vm13, $0x18A, v1  }
0x87: {  	s29 =	ssub.s32 s7, s9;
	s31 =	sadd.s32 s1, s8;
	[dreg:$0x4] =	wrdreg s30;
	[tilespmem:$0x1FFE0] =	vst v42;
	v1 =	vsel vm14, $0x1AB, v1  }
0x88: {  	s16 =	simm.s32 $0x4;
	v36 =	vadd.s32 $0x1, v29;
	s0 =	smax.u32 s29, $0x1;
	[dreg:$0x6] =	wrdreg s31;
	[tilespmem:$0x1FFF0] =	vst v60;
	v53 =	vsel vm15, $0x1CC, v1  }
0x89: {  	s17 =	simm.s32 $0x0;
	v32 =	vadd.s32 $0x9, v29;
	v40 =	vadd.s32 $0xA, v29;
	v59 =	vadd.s32 $0xF, v29;
	s9 =	sadd.s32 $0x640, s4;
	[dreg:$0x5] =	wrdreg s0;
	[tilespmem:$0x1FF40] =	vst v53  }
.LBB2_1:
0x8a: {  	s0 =	rddreg [dreg:$0x3]  }
0x8b: {  	[tilespmem:s12], [sflag:$0x5] =	stream.linear.gather [hbm4b:s0+s3], $0xF3C0, $0x38;
	[tilespmem:$0x1C200] =	vst v63  }
0x8c: {  	_ =	swait.ge [sflag:s13], $0xF3C0  }
0x8d: {  	[sflag:s13] =	ssyncset.done $0x0  }
0x8e: {  	s1 =	simm.s32 $0x320;
	s31 =	rddreg [dreg:$0x4];
	[sflag:s13] =	ssyncadd.s32 $0xFFFF0C40  }
0x8f: {  	[tilespmem:s3], [sflag:$0x1] =	stream.linear.gather [hbm4b:s6+s3], $0x320, $0x38;
	[tilespmem:$0x1C200] =	vst v63  }
0x90: {  	p0 =	por $0x0, $0x0;
	s19 =	simm.s32 $0x0;
	s18 =	rddreg [dreg:$0x6]  }
0x91: {  	[tilespmem:s1], [sflag:$0x2] =	stream.linear.gather [hbm4b:s31+s3], $0x320, $0x38;
	[tilespmem:$0x1C200] =	vst v63  }
.LBB2_2:
0x92: {  	s20 =	sand.u32 $0x1, s19  }
0x93: {  	s21 =	sadd.s32 $0x1, s20  }
0x94: {  	s0 =	simm.s32 $0x1;
	p1 =	slt.u32 s19, $0x2;
	_ =	swait.ge [sflag:s21], $0x320  }
0x95: {  	s1 =	sadd.s32 $0x10, s18;
	s0 =	simm.s32 @!p0 $0x0;
	[sflag:s21] =	ssyncset.done $0x0  }
0x96: {  	s8 =	sadd.s32 @!p1 $0x3, s20;
	v0 =	vor.u32 s1, v29;
	s0 =	smul.u32 $0xC80, s0;
	[sflag:s21] =	ssyncadd.s32 $0xFFFFFCE0  }
0x97: {  	v1 =	vmulhi.u32 $0x51EB851F, v0;
	_ =	swait.ge @!p1 [sflag:s8], $0x6400  }
0x98: {  	s0 =	sshrl.u32 s0, $0x2;
	[sflag:s8] =	ssyncset.done @!p1 $0x0  }
0x99: {  	v1 =	vshrl.u32 v1, $0x4;
	s7 =	sor.u32 $0x10, s0;
	[sflag:s8] =	ssyncadd.s32 @!p1 $0xFFFF9C00  }
0x9a: {  	v1 =	vmul.u32 $0x32, v1;
	v2 =	vld [tilespmem:s7+$0x0];
	_ =	sdelay $0x1  }
0x9b: {  	v0 =	vsub.s32 v0, v1  }
0x9c: {  	v0 =	vmul.u32 $0x27, v0;
	_ =	sdelay $0x1  }
0x9d: {  	v0 =	vadd.s32 v0, v2  }
0x9e: {  	v25 =	vshll.u32 v0, $0x5  }
0x9f: {  	v0 =	vor.u32 v29, v25;
	_ =	sdelay $0x3  }
0xa0: {  	s0 =	simm.s32 $0x200  }
0xa1: {  	v3 =	vor.u32 s0, v62;
	v0 =	vld.idx.msk [tilespmem:v0+s12+$0x0], $0xffff  }
0xa2: {  	s24 =	smul.u32 $0x19000, s20;
	_ =	sdelay $0x1  }
0xa3: {  	s1 =	sshrl.u32 s24, $0x2  }
0xa4: {  	s22 =	sadd.s32 $0x640, s1;
	v1 =	vor.u32 s18, v29  }
0xa5: {  	v2 =	vmulhi.u32 $0x51EB851F, v1;
	[tilespmem:v3+s22+$0x0] =	vst.idx.msk $0xffff, v0  }
0xa6: {  	v4 =	vor.u32 v36, v25;
	v52 =	vld [tilespmem:$0x1FCC0]  }
0xa7: {  	v2 =	vshrl.u32 v2, $0x4  }
0xa8: {  	v2 =	vmul.u32 $0x32, v2;
	_ =	sdelay $0x1  }
0xa9: {  	v1 =	vsub.s32 v1, v2  }
0xaa: {  	v0 =	vmul.u32 $0x27, v1;
	v1 =	vld.idx.msk [tilespmem:v4+s12+$0x0], $0xffff;
	v2 =	vor.u32 s0, v52  }
0xab: {  	v34 =	vld [tilespmem:$0x1FCD0];
	_ =	sdelay $0x3  }
0xac: {  	[tilespmem:v2+s22+$0x0] =	vst.idx.msk $0xffff, v1  }
0xad: {  	v3 =	vor.u32 v34, v25;
	v27 =	vld [tilespmem:$0x1FCE0];
	_ =	sdelay $0x2  }
0xae: {  	v5 =	vld [tilespmem:s7+$0xFFFFFFF0];
	_ =	sdelay $0x1  }
0xaf: {  	v1 =	vld.idx.msk [tilespmem:v3+s12+$0x0], $0xffff;
	v2 =	vor.u32 s0, v27  }
0xb0: {  	v28 =	vld [tilespmem:$0x1FCF0];
	_ =	sdelay $0x1  }
0xb1: {  	v0 =	vadd.s32 v0, v5  }
0xb2: {  	v26 =	vshll.u32 v0, $0x5  }
0xb3: {  	v0 =	vor.u32 v29, v26;
	[tilespmem:v2+s22+$0x0] =	vst.idx.msk $0xffff, v1  }
0xb4: {  	v3 =	vor.u32 v28, v25;
	v30 =	vld [tilespmem:$0x1FD00];
	_ =	sdelay $0x2  }
0xb5: {  	s14 =	simm.s32 $0x0  }
0xb6: {  	v4 =	vor.u32 s14, v62;
	v0 =	vld.idx.msk [tilespmem:v0+s12+$0x0], $0xffff  }
0xb7: {  	v1 =	vld.idx.msk [tilespmem:v3+s12+$0x0], $0xffff;
	v2 =	vor.u32 s0, v30  }
0xb8: {  	v33 =	vld [tilespmem:$0x1FD10];
	_ =	sdelay $0x2  }
0xb9: {  	[tilespmem:v4+s22+$0x0] =	vst.idx.msk $0xffff, v0  }
0xba: {  	v5 =	vor.u32 v36, v26;
	[tilespmem:v2+s22+$0x0] =	vst.idx.msk $0xffff, v1  }
0xbb: {  	v3 =	vor.u32 v33, v25;
	v15 =	vld [tilespmem:$0x1FD20];
	_ =	sdelay $0x3  }
0xbc: {  	v4 =	vor.u32 s14, v52;
	v0 =	vld.idx.msk [tilespmem:v5+s12+$0x0], $0xffff  }
0xbd: {  	v1 =	vld.idx.msk [tilespmem:v3+s12+$0x0], $0xffff;
	v2 =	vor.u32 s0, v15  }
0xbe: {  	v14 =	vld [tilespmem:$0x1FD30];
	_ =	sdelay $0x2  }
0xbf: {  	[tilespmem:v4+s22+$0x0] =	vst.idx.msk $0xffff, v0  }
0xc0: {  	v5 =	vor.u32 v34, v26;
	[tilespmem:v2+s22+$0x0] =	vst.idx.msk $0xffff, v1  }
0xc1: {  	v3 =	vor.u32 v14, v25;
	v35 =	vld [tilespmem:$0x1FD40];
	_ =	sdelay $0x3  }
0xc2: {  	v4 =	vor.u32 s14, v27;
	v0 =	vld.idx.msk [tilespmem:v5+s12+$0x0], $0xffff  }
0xc3: {  	v1 =	vld.idx.msk [tilespmem:v3+s12+$0x0], $0xffff;
	v2 =	vor.u32 s0, v35  }
0xc4: {  	v46 =	vld [tilespmem:$0x1FD50];
	_ =	sdelay $0x1  }
0xc5: {  	v5 =	vor.u32 v28, v26  }
0xc6: {  	[tilespmem:v4+s22+$0x0] =	vst.idx.msk $0xffff, v0  }
0xc7: {  	[tilespmem:v2+s22+$0x0] =	vst.idx.msk $0xffff, v1  }
0xc8: {  	v3 =	vor.u32 v46, v25;
	v53 =	vld [tilespmem:$0x1FD60]  }
0xc9: {  	v21 =	vld [tilespmem:$0x1FD70]  }
0xca: {  	v4 =	vor.u32 s14, v30;
	v0 =	vld.idx.msk [tilespmem:v5+s12+$0x0], $0xffff  }
0xcb: {  	v5 =	vor.u32 v33, v26  }
0xcc: {  	s25 =	sadd.s32 $0x20, s18  }
0xcd: {  	s26 =	sadd.s32 $0x10, s25;
	v1 =	vld.idx.msk [tilespmem:v3+s12+$0x0], $0xffff;
	v2 =	vor.u32 s0, v53  }
0xce: {  	v6 =	vor.u32 s26, v29;
	v3 =	vor.u32 v21, v25  }
0xcf: {  	[tilespmem:v4+s22+$0x0] =	vst.idx.msk $0xffff, v0;
	v0 =	vmulhi.u32 $0x51EB851F, v6  }
0xd0: {  	v4 =	vld.idx.msk [tilespmem:v5+s12+$0x0], $0xffff;
	v5 =	vor.u32 s14, v15  }
0xd1: {  	s7 =	sadd.s32 $0x20, s7;
	v7 =	vor.u32 v14, v26;
	v0 =	vshrl.u32 v0, $0x4  }
0xd2: {  	v0 =	vmul.u32 $0x32, v0;
	[tilespmem:v2+s22+$0x0] =	vst.idx.msk $0xffff, v1;
	v1 =	vld [tilespmem:s7+$0x0]  }
0xd3: {  	v8 =	vor.u32 s25, v29;
	v2 =	vor.u32 s0, v47;
	v3 =	vld.idx.msk [tilespmem:v3+s12+$0x0], $0xffff  }
0xd4: {  	v9 =	vmulhi.u32 $0x51EB851F, v8;
	v10 =	vor.u32 v43, v25;
	v0 =	vsub.s32 v6, v0  }
0xd5: {  	[tilespmem:v5+s22+$0x0] =	vst.idx.msk $0xffff, v4;
	v0 =	vmul.u32 $0x27, v0  }
0xd6: {  	v6 =	vshrl.u32 v9, $0x4;
	v5 =	vor.u32 s14, v35;
	v4 =	vld.idx.msk [tilespmem:v7+s12+$0x0], $0xffff  }
0xd7: {  	v9 =	vld [tilespmem:s7+$0xFFFFFFF0];
	v6 =	vmul.u32 $0x32, v6;
	v7 =	vor.u32 v46, v26;
	v0 =	vadd.s32 v0, v1  }
0xd8: {  	[tilespmem:v2+s22+$0x0] =	vst.idx.msk $0xffff, v3;
	v39 =	vshll.u32 v0, $0x5  }
0xd9: {  	v1 =	vsub.s32 v8, v6;
	v3 =	vor.u32 s0, v58;
	v2 =	vld.idx.msk [tilespmem:v10+s12+$0x0], $0xffff;
	v6 =	vor.u32 v29, v39  }
0xda: {  	v8 =	vor.u32 v32, v25;
	v1 =	vmul.u32 $0x27, v1  }
0xdb: {  	[tilespmem:v5+s22+$0x0] =	vst.idx.msk $0xffff, v4  }
0xdc: {  	v5 =	vor.u32 s14, v53;
	v4 =	vld.idx.msk [tilespmem:v7+s12+$0x0], $0xffff;
	v1 =	vadd.s32 v1, v9  }
0xdd: {  	s23 =	simm.s32 $0x600;
	v7 =	vor.u32 v21, v26;
	v44 =	vshll.u32 v1, $0x5  }
0xde: {  	v9 =	vor.u32 v29, v44;
	[tilespmem:v3+s22+$0x0] =	vst.idx.msk $0xffff, v2;
	v2 =	vld.idx.msk [tilespmem:v6+s12+$0x0], $0xffff;
	v3 =	vor.u32 s23, v62  }
0xdf: {  	v10 =	vor.u32 v36, v39;
	v6 =	vld.idx.msk [tilespmem:v8+s12+$0x0], $0xffff;
	v8 =	vor.u32 s0, v48  }
0xe0: {  	v11 =	vor.u32 v40, v25  }
0xe1: {  	[tilespmem:v5+s22+$0x0] =	vst.idx.msk $0xffff, v4  }
0xe2: {  	s24 =	simm.s32 $0x400;
	v5 =	vor.u32 s14, v47;
	v4 =	vld.idx.msk [tilespmem:v7+s12+$0x0], $0xffff  }
0xe3: {  	v12 =	vor.u32 s24, v62;
	v9 =	vld.idx.msk [tilespmem:v9+s12+$0x0], $0xffff;
	[tilespmem:v3+s22+$0x0] =	vst.idx.msk $0xffff, v2  }
0xe4: {  	[tilespmem:v8+s22+$0x0] =	vst.idx.msk $0xffff, v6;
	v3 =	vld.idx.msk [tilespmem:v10+s12+$0x0], $0xffff;
	v6 =	vor.u32 s23, v52  }
0xe5: {  	v10 =	vor.u32 s0, v55;
	v8 =	vld.idx.msk [tilespmem:v11+s12+$0x0], $0xffff  }
0xe6: {  	v49 =	vld [tilespmem:$0x1FD80]  }
0xe7: {  	v7 =	vor.u32 v43, v26;
	[tilespmem:v5+s22+$0x0] =	vst.idx.msk $0xffff, v4  }
0xe8: {  	v2 =	vor.u32 v36, v44;
	[tilespmem:v12+s22+$0x0] =	vst.idx.msk $0xffff, v9  }
0xe9: {  	v11 =	vor.u32 v34, v39;
	[tilespmem:v6+s22+$0x0] =	vst.idx.msk $0xffff, v3  }
0xea: {  	[tilespmem:v10+s22+$0x0] =	vst.idx.msk $0xffff, v8  }
0xeb: {  	v13 =	vor.u32 v49, v25;
	v24 =	vld [tilespmem:$0x1FD90]  }
0xec: {  	v4 =	vld.idx.msk [tilespmem:v7+s12+$0x0], $0xffff  }
0xed: {  	v5 =	vor.u32 s14, v58;
	v2 =	vld.idx.msk [tilespmem:v2+s12+$0x0], $0xffff  }
0xee: {  	v9 =	vor.u32 s24, v52;
	v6 =	vld.idx.msk [tilespmem:v11+s12+$0x0], $0xffff  }
0xef: {  	v8 =	vor.u32 s23, v27;
	v23 =	vld [tilespmem:$0x1FDA0]  }
0xf0: {  	v10 =	vld.idx.msk [tilespmem:v13+s12+$0x0], $0xffff;
	v11 =	vor.u32 s0, v24;
	_ =	sdelay $0x1  }
0xf1: {  	v7 =	vor.u32 v32, v26;
	[tilespmem:v5+s22+$0x0] =	vst.idx.msk $0xffff, v4  }
0xf2: {  	v3 =	vor.u32 v34, v44;
	[tilespmem:v9+s22+$0x0] =	vst.idx.msk $0xffff, v2  }
0xf3: {  	v12 =	vor.u32 v28, v39;
	[tilespmem:v8+s22+$0x0] =	vst.idx.msk $0xffff, v6  }
0xf4: {  	v13 =	vor.u32 v23, v25;
	[tilespmem:v11+s22+$0x0] =	vst.idx.msk $0xffff, v10  }
0xf5: {  	v20 =	vld [tilespmem:$0x1FDB0]  }
0xf6: {  	v5 =	vor.u32 s14, v48;
	v4 =	vld.idx.msk [tilespmem:v7+s12+$0x0], $0xffff  }
0xf7: {  	v7 =	vor.u32 s24, v27;
	v2 =	vor.u32 v40, v26;
	v3 =	vld.idx.msk [tilespmem:v3+s12+$0x0], $0xffff  }
0xf8: {  	v9 =	vor.u32 s23, v30;
	v6 =	vor.u32 v28, v44;
	v8 =	vld.idx.msk [tilespmem:v12+s12+$0x0], $0xffff  }
0xf9: {  	v12 =	vor.u32 v33, v39;
	v11 =	vor.u32 s0, v54;
	v10 =	vld.idx.msk [tilespmem:v13+s12+$0x0], $0xffff  }
0xfa: {  	v13 =	vor.u32 v20, v25  }
0xfb: {  	[tilespmem:v5+s22+$0x0] =	vst.idx.msk $0xffff, v4  }
0xfc: {  	v4 =	vor.u32 s14, v55;
	[tilespmem:v7+s22+$0x0] =	vst.idx.msk $0xffff, v3;
	v2 =	vld.idx.msk [tilespmem:v2+s12+$0x0], $0xffff  }
0xfd: {  	[tilespmem:v9+s22+$0x0] =	vst.idx.msk $0xffff, v8;
	v5 =	vld.idx.msk [tilespmem:v6+s12+$0x0], $0xffff;
	v6 =	vor.u32 s24, v30  }
0xfe: {  	v9 =	vor.u32 s23, v15;
	v8 =	vld.idx.msk [tilespmem:v12+s12+$0x0], $0xffff;
	[tilespmem:v11+s22+$0x0] =	vst.idx.msk $0xffff, v10  }
0xff: {  	v3 =	vor.u32 v49, v26;
	v11 =	vor.u32 s0, v56;
	v10 =	vld.idx.msk [tilespmem:v13+s12+$0x0], $0xffff  }
0x100: {  	v1 =	vld [tilespmem:$0x1FDC0]  }
0x101: {  	v7 =	vor.u32 v33, v44;
	[tilespmem:v4+s22+$0x0] =	vst.idx.msk $0xffff, v2  }
0x102: {  	[tilespmem:v6+s22+$0x0] =	vst.idx.msk $0xffff, v5  }
0x103: {  	[tilespmem:v9+s22+$0x0] =	vst.idx.msk $0xffff, v8  }
0x104: {  	v12 =	vor.u32 v14, v39;
	v2 =	vld.idx.msk [tilespmem:v3+s12+$0x0], $0xffff;
	[tilespmem:v11+s22+$0x0] =	vst.idx.msk $0xffff, v10  }
0x105: {  	v4 =	vor.u32 v23, v26;
	v3 =	vor.u32 s14, v24;
	v13 =	vor.u32 v1, v25;
	v23 =	vld [tilespmem:$0x1FDD0]  }
0x106: {  	v6 =	vor.u32 s24, v15;
	v5 =	vld.idx.msk [tilespmem:v7+s12+$0x0], $0xffff  }
0x107: {  	v7 =	vor.u32 v14, v44;
	_ =	sdelay $0x1  }
0x108: {  	v9 =	vor.u32 s23, v35;
	v8 =	vld.idx.msk [tilespmem:v12+s12+$0x0], $0xffff  }
0x109: {  	v12 =	vor.u32 v46, v39;
	v10 =	vld.idx.msk [tilespmem:v13+s12+$0x0], $0xffff;
	[tilespmem:v3+s22+$0x0] =	vst.idx.msk $0xffff, v2;
	v11 =	vor.u32 s0, v23  }
0x10a: {  	v13 =	vor.u32 v59, v25;
	v3 =	vor.u32 s14, v54;
	[tilespmem:v6+s22+$0x0] =	vst.idx.msk $0xffff, v5;
	v2 =	vld.idx.msk [tilespmem:v4+s12+$0x0], $0xffff  }
0x10b: {  	v6 =	vor.u32 s24, v35;
	v4 =	vor.u32 v20, v26;
	v5 =	vld.idx.msk [tilespmem:v7+s12+$0x0], $0xffff  }
0x10c: {  	v7 =	vor.u32 v46, v44  }
0x10d: {  	[tilespmem:v9+s22+$0x0] =	vst.idx.msk $0xffff, v8  }
0x10e: {  	v9 =	vor.u32 s23, v53;
	v8 =	vld.idx.msk [tilespmem:v12+s12+$0x0], $0xffff;
	[tilespmem:v11+s22+$0x0] =	vst.idx.msk $0xffff, v10  }
0x10f: {  	v12 =	vor.u32 v21, v39;
	[tilespmem:v3+s22+$0x0] =	vst.idx.msk $0xffff, v2;
	v11 =	vor.u32 s0, v19;
	v10 =	vld.idx.msk [tilespmem:v13+s12+$0x0], $0xffff  }
0x110: {  	[tilespmem:v6+s22+$0x0] =	vst.idx.msk $0xffff, v5;
	v2 =	vld.idx.msk [tilespmem:v4+s12+$0x0], $0xffff  }
0x111: {  	v5 =	vor.u32 s24, v53;
	v4 =	vld.idx.msk [tilespmem:v7+s12+$0x0], $0xffff;
	v13 =	vor.u32 v17, v25;
	_ =	sdelay $0x1  }
0x112: {  	[tilespmem:v9+s22+$0x0] =	vst.idx.msk $0xffff, v8  }
0x113: {  	v8 =	vor.u32 s23, v47;
	[tilespmem:v11+s22+$0x0] =	vst.idx.msk $0xffff, v10;
	v10 =	vld.idx.msk [tilespmem:v12+s12+$0x0], $0xffff  }
0x114: {  	v12 =	vor.u32 s14, v56  }
0x115: {  	v0 =	vmov v18;
	v18 =	vor.u32 s0, v18;
	[tilespmem:v5+s22+$0x0] =	vst.idx.msk $0xffff, v4;
	v13 =	vld.idx.msk [tilespmem:v13+s12+$0x0], $0xffff  }
0x116: {  	s1 =	sadd.s32 $0x20, s25;
	v31 =	vld [tilespmem:$0x1FDE0]  }
0x117: {  	v3 =	vor.u32 s1, v29  }
0x118: {  	s10 =	sadd.s32 $0x10, s1;
	v9 =	vor.u32 v21, v44;
	v6 =	vmulhi.u32 $0x51EB851F, v3;
	[tilespmem:v8+s22+$0x0] =	vst.idx.msk $0xffff, v10  }
0x119: {  	s7 =	sadd.s32 $0x20, s7;
	v14 =	vor.u32 v43, v39;
	v7 =	vor.u32 s10, v29;
	[tilespmem:v12+s22+$0x0] =	vst.idx.msk $0xffff, v2  }
0x11a: {  	v16 =	vld [tilespmem:s7+$0xFFFFFFF0];
	v15 =	vor.u32 v1, v26;
	v6 =	vshrl.u32 v6, $0x4;
	v11 =	vmulhi.u32 $0x51EB851F, v7;
	[tilespmem:v18+s22+$0x0] =	vst.idx.msk $0xffff, v13  }
0x11b: {  	v6 =	vmul.u32 $0x32, v6;
	v4 =	vor.u32 v31, v25;
	v21 =	vld [tilespmem:$0x1FE60]  }
0x11c: {  	v57 =	vmov v17;
	v17 =	vld [tilespmem:s7+$0x0];
	v11 =	vshrl.u32 v11, $0x4  }
0x11d: {  	v3 =	vsub.s32 v3, v6;
	v6 =	vor.u32 s24, v47;
	v5 =	vld.idx.msk [tilespmem:v9+s12+$0x0], $0xffff;
	v11 =	vmul.u32 $0x32, v11  }
0x11e: {  	v3 =	vmul.u32 $0x27, v3;
	v10 =	vor.u32 s23, v58;
	v9 =	vld.idx.msk [tilespmem:v14+s12+$0x0], $0xffff  }
0x11f: {  	v7 =	vsub.s32 v7, v11;
	v8 =	vor.u32 v43, v44;
	v12 =	vor.u32 s14, v23;
	v11 =	vld.idx.msk [tilespmem:v15+s12+$0x0], $0xffff  }
0x120: {  	v7 =	vmul.u32 $0x27, v7;
	v14 =	vor.u32 v32, v39;
	v4 =	vld.idx.msk [tilespmem:v4+s12+$0x0], $0xffff;
	v13 =	vor.u32 s0, v21  }
0x121: {  	v2 =	vadd.s32 v3, v16  }
0x122: {  	v15 =	vor.u32 v59, v26;
	v23 =	vshll.u32 v2, $0x5;
	[tilespmem:v6+s22+$0x0] =	vst.idx.msk $0xffff, v5;
	v3 =	vadd.s32 v7, v17  }
0x123: {  	v7 =	vor.u32 v29, v23;
	v3 =	vshll.u32 v3, $0x5;
	[tilespmem:v10+s22+$0x0] =	vst.idx.msk $0xffff, v9  }
0x124: {  	v16 =	vor.u32 s24, v58;
	v5 =	vor.u32 v29, v3;
	v8 =	vld.idx.msk [tilespmem:v8+s12+$0x0], $0xffff;
	[tilespmem:v12+s22+$0x0] =	vst.idx.msk $0xffff, v11  }
0x125: {  	v9 =	vor.u32 v32, v44;
	v10 =	vld.idx.msk [tilespmem:v14+s12+$0x0], $0xffff;
	[tilespmem:v13+s22+$0x0] =	vst.idx.msk $0xffff, v4  }
0x126: {  	v6 =	vor.u32 v60, v25;
	v17 =	vor.u32 v57, v26;
	v11 =	vor.u32 s23, v48;
	v57 =	vld [tilespmem:$0x1FE70]  }
0x127: {  	s25 =	simm.s32 $0x800;
	v12 =	vld.idx.msk [tilespmem:v15+s12+$0x0], $0xffff;
	v14 =	vor.u32 s14, v19  }
0x128: {  	s26 =	simm.s32 $0xA00;
	v18 =	vor.u32 s25, v62;
	v15 =	vor.u32 v40, v39;
	v7 =	vld.idx.msk [tilespmem:v7+s12+$0x0], $0xffff  }
0x129: {  	v4 =	vld.idx.msk [tilespmem:v5+s12+$0x0], $0xffff;
	v13 =	vor.u32 s26, v62;
	[tilespmem:v16+s22+$0x0] =	vst.idx.msk $0xffff, v8  }
0x12a: {  	v5 =	vor.u32 v36, v23;
	v16 =	vor.u32 s24, v48;
	v9 =	vld.idx.msk [tilespmem:v9+s12+$0x0], $0xffff  }
0x12b: {  	v6 =	vld.idx.msk [tilespmem:v6+s12+$0x0], $0xffff;
	[tilespmem:v11+s22+$0x0] =	vst.idx.msk $0xffff, v10;
	v10 =	vor.u32 v40, v44;
	v19 =	vor.u32 s0, v57  }
0x12c: {  	[tilespmem:v14+s22+$0x0] =	vst.idx.msk $0xffff, v12  }
0x12d: {  	v8 =	vor.u32 v36, v3;
	[tilespmem:v18+s22+$0x0] =	vst.idx.msk $0xffff, v7;
	v11 =	vld.idx.msk [tilespmem:v15+s12+$0x0], $0xffff  }
0x12e: {  	v14 =	vld.idx.msk [tilespmem:v17+s12+$0x0], $0xffff;
	[tilespmem:v13+s22+$0x0] =	vst.idx.msk $0xffff, v4  }
0x12f: {  	v12 =	vor.u32 s23, v55;
	v5 =	vld.idx.msk [tilespmem:v5+s12+$0x0], $0xffff;
	[tilespmem:v16+s22+$0x0] =	vst.idx.msk $0xffff, v9  }
0x130: {  	v20 =	vor.u32 v61, v25;
	v15 =	vor.u32 s14, v0;
	v10 =	vld.idx.msk [tilespmem:v10+s12+$0x0], $0xffff;
	[tilespmem:v19+s22+$0x0] =	vst.idx.msk $0xffff, v6  }
0x131: {  	v1 =	vld [tilespmem:$0x1FE80]  }
0x132: {  	v6 =	vld.idx.msk [tilespmem:v8+s12+$0x0], $0xffff  }
0x133: {  	v2 =	vor.u32 s25, v52;
	v24 =	vld [tilespmem:$0x1FE10]  }
0x134: {  	v13 =	vor.u32 s26, v52;
	v38 =	vld [tilespmem:$0x1FE20];
	[tilespmem:v12+s22+$0x0] =	vst.idx.msk $0xffff, v11  }
0x135: {  	v7 =	vor.u32 v49, v39;
	v19 =	vor.u32 s24, v55;
	v9 =	vld.idx.msk [tilespmem:v20+s12+$0x0], $0xffff;
	[tilespmem:v15+s22+$0x0] =	vst.idx.msk $0xffff, v14  }
0x136: {  	v17 =	vor.u32 v31, v26;
	v4 =	vld [tilespmem:$0x1FD90];
	v16 =	vor.u32 s0, v1;
	_ =	sdelay $0x1  }
0x137: {  	v8 =	vor.u32 v34, v23;
	[tilespmem:v2+s22+$0x0] =	vst.idx.msk $0xffff, v5  }
0x138: {  	v22 =	vmov v49;
	v0 =	vld [tilespmem:$0x1FDA0];
	[tilespmem:v13+s22+$0x0] =	vst.idx.msk $0xffff, v6  }
0x139: {  	v11 =	vor.u32 v22, v44;
	v7 =	vld.idx.msk [tilespmem:v7+s12+$0x0], $0xffff;
	[tilespmem:v19+s22+$0x0] =	vst.idx.msk $0xffff, v10  }
0x13a: {  	v18 =	vor.u32 v34, v3;
	v22 =	vld.idx.msk [tilespmem:v17+s12+$0x0], $0xffff;
	v12 =	vor.u32 s23, v4;
	[tilespmem:v16+s22+$0x0] =	vst.idx.msk $0xffff, v9  }
0x13b: {  	v20 =	vor.u32 v42, v25;
	v15 =	vor.u32 s14, v21;
	v21 =	vld [tilespmem:$0x1FE90]  }
0x13c: {  	v8 =	vld.idx.msk [tilespmem:v8+s12+$0x0], $0xffff;
	v6 =	vor.u32 s25, v27;
	_ =	sdelay $0x1  }
0x13d: {  	v11 =	vld.idx.msk [tilespmem:v11+s12+$0x0], $0xffff;
	v19 =	vor.u32 s24, v4  }
0x13e: {  	v5 =	vor.u32 v0, v39;
	v9 =	vld.idx.msk [tilespmem:v18+s12+$0x0], $0xffff;
	v16 =	vor.u32 s26, v27;
	[tilespmem:v12+s22+$0x0] =	vst.idx.msk $0xffff, v7  }
0x13f: {  	v14 =	vor.u32 v60, v26;
	v10 =	vld.idx.msk [tilespmem:v20+s12+$0x0], $0xffff;
	[tilespmem:v15+s22+$0x0] =	vst.idx.msk $0xffff, v22;
	v17 =	vor.u32 s0, v21  }
0x140: {  	[tilespmem:v6+s22+$0x0] =	vst.idx.msk $0xffff, v8  }
0x141: {  	v13 =	vor.u32 v28, v23;
	v7 =	vor.u32 v0, v44;
	v0 =	vld [tilespmem:$0x1FDB0]  }
0x142: {  	[tilespmem:v19+s22+$0x0] =	vst.idx.msk $0xffff, v11  }
0x143: {  	v18 =	vor.u32 v28, v3;
	v4 =	vld.idx.msk [tilespmem:v5+s12+$0x0], $0xffff;
	[tilespmem:v16+s22+$0x0] =	vst.idx.msk $0xffff, v9  }
0x144: {  	v20 =	vor.u32 v63, v25;
	v5 =	vld.idx.msk [tilespmem:v14+s12+$0x0], $0xffff;
	[tilespmem:v17+s22+$0x0] =	vst.idx.msk $0xffff, v10  }
0x145: {  	v12 =	vor.u32 s23, v54;
	v28 =	vld [tilespmem:$0x1FEA0]  }
0x146: {  	v14 =	vor.u32 s14, v57;
	v13 =	vld.idx.msk [tilespmem:v13+s12+$0x0], $0xffff;
	v6 =	vor.u32 v0, v39  }
0x147: {  	v8 =	vor.u32 v61, v26;
	v9 =	vor.u32 s25, v30;
	v7 =	vld.idx.msk [tilespmem:v7+s12+$0x0], $0xffff  }
0x148: {  	v16 =	vor.u32 s26, v30;
	v10 =	vld.idx.msk [tilespmem:v18+s12+$0x0], $0xffff  }
0x149: {  	v11 =	vld.idx.msk [tilespmem:v20+s12+$0x0], $0xffff  }
0x14a: {  	v18 =	vor.u32 v33, v3;
	v22 =	vld [tilespmem:$0x1FDF0];
	[tilespmem:v12+s22+$0x0] =	vst.idx.msk $0xffff, v4;
	v17 =	vor.u32 s0, v28  }
0x14b: {  	v19 =	vor.u32 s24, v54;
	[tilespmem:v14+s22+$0x0] =	vst.idx.msk $0xffff, v5;
	v5 =	vld.idx.msk [tilespmem:v6+s12+$0x0], $0xffff  }
0x14c: {  	[tilespmem:v9+s22+$0x0] =	vst.idx.msk $0xffff, v13;
	v8 =	vld.idx.msk [tilespmem:v8+s12+$0x0], $0xffff  }
0x14d: {  	v4 =	vor.u32 v0, v44;
	v6 =	vor.u32 s23, v56;
	v0 =	vld [tilespmem:$0x1FDC0];
	[tilespmem:v16+s22+$0x0] =	vst.idx.msk $0xffff, v10  }
0x14e: {  	v15 =	vor.u32 v33, v23;
	v12 =	vor.u32 s14, v1;
	v1 =	vld [tilespmem:$0x1FD20]  }
0x14f: {  	[tilespmem:v17+s22+$0x0] =	vst.idx.msk $0xffff, v11;
	v11 =	vld.idx.msk [tilespmem:v18+s12+$0x0], $0xffff  }
0x150: {  	v18 =	vld [tilespmem:$0x1FD30];
	[tilespmem:v19+s22+$0x0] =	vst.idx.msk $0xffff, v7  }
0x151: {  	v27 =	vld [tilespmem:$0x1FEB0]  }
0x152: {  	v20 =	vor.u32 v22, v25;
	v2 =	vld [tilespmem:$0x1FE00];
	[tilespmem:v6+s22+$0x0] =	vst.idx.msk $0xffff, v5  }
0x153: {  	v14 =	vld.idx.msk [tilespmem:v15+s12+$0x0], $0xffff;
	[tilespmem:v12+s22+$0x0] =	vst.idx.msk $0xffff, v8  }
0x154: {  	v9 =	vor.u32 v0, v39;
	v10 =	vor.u32 s25, v1;
	v16 =	vor.u32 s26, v1;
	v1 =	vld [tilespmem:$0x1FDD0]  }
0x155: {  	v13 =	vor.u32 v42, v26  }
0x156: {  	v19 =	vor.u32 s24, v56;
	v4 =	vld.idx.msk [tilespmem:v4+s12+$0x0], $0xffff  }
0x157: {  	v7 =	vld.idx.msk [tilespmem:v20+s12+$0x0], $0xffff;
	v17 =	vor.u32 s0, v27;
	_ =	sdelay $0x1  }
0x158: {  	v6 =	vld.idx.msk [tilespmem:v9+s12+$0x0], $0xffff;
	[tilespmem:v10+s22+$0x0] =	vst.idx.msk $0xffff, v14;
	v8 =	vor.u32 s23, v1  }
0x159: {  	v12 =	vor.u32 s14, v21;
	v9 =	vld.idx.msk [tilespmem:v13+s12+$0x0], $0xffff;
	[tilespmem:v16+s22+$0x0] =	vst.idx.msk $0xffff, v11;
	v15 =	vor.u32 v18, v23  }
0x15a: {  	[tilespmem:v19+s22+$0x0] =	vst.idx.msk $0xffff, v4  }
0x15b: {  	v18 =	vor.u32 v18, v3;
	[tilespmem:v17+s22+$0x0] =	vst.idx.msk $0xffff, v7  }
0x15c: {  	v20 =	vor.u32 v2, v25;
	v21 =	vld [tilespmem:$0x1FEC0]  }
0x15d: {  	v5 =	vor.u32 v0, v44;
	[tilespmem:v8+s22+$0x0] =	vst.idx.msk $0xffff, v6  }
0x15e: {  	v10 =	vor.u32 v59, v39;
	v14 =	vld.idx.msk [tilespmem:v15+s12+$0x0], $0xffff;
	[tilespmem:v12+s22+$0x0] =	vst.idx.msk $0xffff, v9  }
0x15f: {  	v13 =	vor.u32 v63, v26;
	v11 =	vor.u32 s25, v35;
	v30 =	vld [tilespmem:$0x1FF70]  }
0x160: {  	v16 =	vor.u32 s26, v35;
	v7 =	vld.idx.msk [tilespmem:v18+s12+$0x0], $0xffff  }
0x161: {  	v4 =	vld.idx.msk [tilespmem:v20+s12+$0x0], $0xffff;
	v17 =	vor.u32 s0, v21  }
0x162: {  	v5 =	vld.idx.msk [tilespmem:v5+s12+$0x0], $0xffff;
	v19 =	vor.u32 s24, v1  }
0x163: {  	v8 =	vld.idx.msk [tilespmem:v10+s12+$0x0], $0xffff  }
0x164: {  	v10 =	vld.idx.msk [tilespmem:v13+s12+$0x0], $0xffff;
	[tilespmem:v11+s22+$0x0] =	vst.idx.msk $0xffff, v14;
	v9 =	vor.u32 s23, v30  }
0x165: {  	v15 =	vor.u32 v46, v23;
	v12 =	vor.u32 s14, v28;
	v0 =	vld [tilespmem:$0x1FF50];
	[tilespmem:v16+s22+$0x0] =	vst.idx.msk $0xffff, v7  }
0x166: {  	[tilespmem:v17+s22+$0x0] =	vst.idx.msk $0xffff, v4  }
0x167: {  	v18 =	vor.u32 v46, v3;
	v1 =	vld [tilespmem:$0x1FD70];
	[tilespmem:v19+s22+$0x0] =	vst.idx.msk $0xffff, v5  }
0x168: {  	v20 =	vor.u32 v24, v25;
	v7 =	vor.u32 s25, v53;
	v16 =	vor.u32 s26, v53;
	v53 =	vld [tilespmem:$0x1FED0]  }
0x169: {  	[tilespmem:v9+s22+$0x0] =	vst.idx.msk $0xffff, v8  }
0x16a: {  	v14 =	vld.idx.msk [tilespmem:v15+s12+$0x0], $0xffff;
	[tilespmem:v12+s22+$0x0] =	vst.idx.msk $0xffff, v10  }
0x16b: {  	v11 =	vor.u32 v0, v39;
	v45 =	vld [tilespmem:$0x1FF80]  }
0x16c: {  	v13 =	vor.u32 v22, v26;
	v4 =	vld.idx.msk [tilespmem:v18+s12+$0x0], $0xffff  }
0x16d: {  	v5 =	vld.idx.msk [tilespmem:v20+s12+$0x0], $0xffff;
	v17 =	vor.u32 s0, v53;
	_ =	sdelay $0x2  }
0x16e: {  	[tilespmem:v7+s22+$0x0] =	vst.idx.msk $0xffff, v14;
	v8 =	vld.idx.msk [tilespmem:v11+s12+$0x0], $0xffff;
	v9 =	vor.u32 s23, v45  }
0x16f: {  	v10 =	vld.idx.msk [tilespmem:v13+s12+$0x0], $0xffff;
	v11 =	vor.u32 s14, v27;
	[tilespmem:v16+s22+$0x0] =	vst.idx.msk $0xffff, v4  }
0x170: {  	v15 =	vor.u32 v1, v23;
	v18 =	vor.u32 v1, v3;
	v1 =	vld [tilespmem:$0x1FFB0];
	[tilespmem:v17+s22+$0x0] =	vst.idx.msk $0xffff, v5  }
0x171: {  	v22 =	vld [tilespmem:$0x1FFC0]  }
0x172: {  	v41 =	vmov v38;
	v19 =	vor.u32 v38, v25;
	v38 =	vld [tilespmem:$0x1FEE0]  }
0x173: {  	v49 =	vld [tilespmem:$0x1FF90];
	[tilespmem:v9+s22+$0x0] =	vst.idx.msk $0xffff, v8  }
0x174: {  	[tilespmem:v11+s22+$0x0] =	vst.idx.msk $0xffff, v10  }
0x175: {  	v7 =	vor.u32 v31, v39;
	v27 =	vld [tilespmem:$0x1FE60];
	_ =	sdelay $0x1  }
0x176: {  	v6 =	vor.u32 v59, v44;
	v12 =	vld.idx.msk [tilespmem:v15+s12+$0x0], $0xffff;
	v4 =	vor.u32 s25, v1  }
0x177: {  	v13 =	vor.u32 s26, v1;
	v5 =	vld.idx.msk [tilespmem:v18+s12+$0x0], $0xffff  }
0x178: {  	v17 =	vld.idx.msk [tilespmem:v19+s12+$0x0], $0xffff;
	v20 =	vor.u32 s0, v38  }
0x179: {  	s8 =	sadd.s32 $0x20, s1;
	v7 =	vld.idx.msk [tilespmem:v7+s12+$0x0], $0xffff;
	v11 =	vor.u32 s23, v27  }
0x17a: {  	v15 =	vor.u32 s8, v29;
	v33 =	vld [tilespmem:$0x1FE30]  }
0x17b: {  	s1 =	sadd.s32 $0x10, s8;
	v6 =	vld.idx.msk [tilespmem:v6+s12+$0x0], $0xffff;
	v14 =	vor.u32 v2, v26;
	v18 =	vmulhi.u32 $0x51EB851F, v15;
	[tilespmem:v4+s22+$0x0] =	vst.idx.msk $0xffff, v12  }
0x17c: {  	s10 =	sadd.s32 $0x20, s7;
	v19 =	vor.u32 s1, v29;
	v2 =	vld [tilespmem:$0x1FFF0];
	[tilespmem:v13+s22+$0x0] =	vst.idx.msk $0xffff, v5;
	v16 =	vor.u32 v22, v23  }
0x17d: {  	v1 =	vld [tilespmem:s10+$0x0];
	v8 =	vmulhi.u32 $0x51EB851F, v19;
	v10 =	vshrl.u32 v18, $0x4;
	v22 =	vor.u32 v22, v3;
	[tilespmem:v20+s22+$0x0] =	vst.idx.msk $0xffff, v17  }
0x17e: {  	v18 =	vld [tilespmem:s10+$0xFFFFFFF0];
	v10 =	vmul.u32 $0x32, v10;
	[tilespmem:v11+s22+$0x0] =	vst.idx.msk $0xffff, v7  }
0x17f: {  	v8 =	vshrl.u32 v8, $0x4;
	v13 =	vor.u32 v24, v26;
	v9 =	vor.u32 v33, v25;
	v24 =	vld [tilespmem:$0x1FEF0]  }
0x180: {  	v12 =	vld.idx.msk [tilespmem:v14+s12+$0x0], $0xffff;
	v8 =	vmul.u32 $0x32, v8;
	v5 =	vor.u32 s14, v21  }
0x181: {  	v10 =	vsub.s32 v15, v10;
	v15 =	vor.u32 s25, v58;
	v14 =	vld.idx.msk [tilespmem:v16+s12+$0x0], $0xffff  }
0x182: {  	v8 =	vsub.s32 v19, v8;
	v19 =	vor.u32 s26, v58;
	v4 =	vor.u32 v2, v39;
	v17 =	vld.idx.msk [tilespmem:v22+s12+$0x0], $0xffff  }
0x183: {  	v8 =	vmul.u32 $0x27, v8;
	v16 =	vor.u32 v32, v23;
	v11 =	vor.u32 s24, v30;
	v30 =	vld [tilespmem:$0x1FFA0]  }
0x184: {  	v10 =	vmul.u32 $0x27, v10;
	v20 =	vor.u32 v32, v3;
	v9 =	vld.idx.msk [tilespmem:v9+s12+$0x0], $0xffff;
	v7 =	vor.u32 s0, v24  }
0x185: {  	v8 =	vadd.s32 v8, v1;
	[tilespmem:v5+s22+$0x0] =	vst.idx.msk $0xffff, v12  }
0x186: {  	v10 =	vadd.s32 v10, v18;
	v5 =	vshll.u32 v8, $0x5;
	v8 =	vld.idx.msk [tilespmem:v13+s12+$0x0], $0xffff;
	[tilespmem:v15+s22+$0x0] =	vst.idx.msk $0xffff, v14  }
0x187: {  	v12 =	vor.u32 s23, v57;
	v18 =	vld.idx.msk [tilespmem:v4+s12+$0x0], $0xffff;
	v4 =	vshll.u32 v10, $0x5;
	v10 =	vor.u32 v0, v44;
	[tilespmem:v19+s22+$0x0] =	vst.idx.msk $0xffff, v17  }
0x188: {  	v13 =	vor.u32 s14, v53;
	v15 =	vld.idx.msk [tilespmem:v16+s12+$0x0], $0xffff;
	[tilespmem:v11+s22+$0x0] =	vst.idx.msk $0xffff, v6;
	v22 =	vor.u32 v30, v25  }
0x189: {  	v16 =	vor.u32 s25, v48;
	v17 =	vld.idx.msk [tilespmem:v20+s12+$0x0], $0xffff;
	[tilespmem:v7+s22+$0x0] =	vst.idx.msk $0xffff, v9  }
0x18a: {  	v21 =	vor.u32 v29, v4;
	v7 =	vor.u32 s26, v48;
	v37 =	vld [tilespmem:$0x1FF00];
	_ =	sdelay $0x1  }
0x18b: {  	v14 =	vor.u32 v29, v5;
	v10 =	vld.idx.msk [tilespmem:v10+s12+$0x0], $0xffff;
	[tilespmem:v12+s22+$0x0] =	vst.idx.msk $0xffff, v18  }
0x18c: {  	v9 =	vld.idx.msk [tilespmem:v22+s12+$0x0], $0xffff;
	[tilespmem:v13+s22+$0x0] =	vst.idx.msk $0xffff, v8  }
0x18d: {  	v19 =	vor.u32 v61, v39;
	v35 =	vld [tilespmem:$0x1FE40];
	[tilespmem:v16+s22+$0x0] =	vst.idx.msk $0xffff, v15  }
0x18e: {  	v6 =	vor.u32 v40, v23;
	v18 =	vld.idx.msk [tilespmem:v21+s12+$0x0], $0xffff;
	[tilespmem:v7+s22+$0x0] =	vst.idx.msk $0xffff, v17;
	v11 =	vor.u32 s0, v37  }
0x18f: {  	s28 =	simm.s32 $0xC00;
	v21 =	vor.u32 s24, v45;
	v46 =	vld [tilespmem:$0x1FE80]  }
0x190: {  	v20 =	vor.u32 v40, v3;
	v14 =	vld.idx.msk [tilespmem:v14+s12+$0x0], $0xffff;
	v22 =	vor.u32 s28, v62  }
0x191: {  	v1 =	vld [tilespmem:$0x1FFD0]  }
0x192: {  	s29 =	simm.s32 $0xE00;
	v12 =	vor.u32 v41, v26;
	v16 =	vld.idx.msk [tilespmem:v19+s12+$0x0], $0xffff  }
0x193: {  	v13 =	vor.u32 v36, v4;
	v15 =	vor.u32 s29, v62;
	v6 =	vld.idx.msk [tilespmem:v6+s12+$0x0], $0xffff;
	[tilespmem:v11+s22+$0x0] =	vst.idx.msk $0xffff, v9  }
0x194: {  	v7 =	vor.u32 s23, v46;
	v0 =	vld [tilespmem:$0x1FD80];
	[tilespmem:v21+s22+$0x0] =	vst.idx.msk $0xffff, v10  }
0x195: {  	v20 =	vld.idx.msk [tilespmem:v20+s12+$0x0], $0xffff;
	[tilespmem:v22+s22+$0x0] =	vst.idx.msk $0xffff, v18  }
0x196: {  	v8 =	vor.u32 v35, v25;
	v17 =	vor.u32 s25, v1;
	v10 =	vor.u32 s26, v1;
	v1 =	vld [tilespmem:$0x1FF10]  }
0x197: {  	v12 =	vld.idx.msk [tilespmem:v12+s12+$0x0], $0xffff  }
0x198: {  	v19 =	vor.u32 v36, v5;
	v13 =	vld.idx.msk [tilespmem:v13+s12+$0x0], $0xffff;
	[tilespmem:v15+s22+$0x0] =	vst.idx.msk $0xffff, v14  }
0x199: {  	v51 =	vmovc v41;
	v41 =	vmov v31;
	v9 =	vor.u32 v31, v44;
	v21 =	vor.u32 s14, v38;
	v31 =	vld [tilespmem:$0x1FFE0];
	[tilespmem:v7+s22+$0x0] =	vst.idx.msk $0xffff, v16  }
0x19a: {  	v7 =	vor.u32 s28, v52;
	v11 =	vor.u32 v0, v23;
	v18 =	vor.u32 v0, v3;
	v0 =	vld [tilespmem:$0x1FCD0]  }
0x19b: {  	v8 =	vld.idx.msk [tilespmem:v8+s12+$0x0], $0xffff;
	v22 =	vor.u32 s0, v1  }
0x19c: {  	[tilespmem:v17+s22+$0x0] =	vst.idx.msk $0xffff, v6  }
0x19d: {  	v16 =	vld.idx.msk [tilespmem:v19+s12+$0x0], $0xffff;
	[tilespmem:v10+s22+$0x0] =	vst.idx.msk $0xffff, v20  }
0x19e: {  	v6 =	vor.u32 s29, v52;
	v52 =	vld [tilespmem:$0x1FD90];
	[tilespmem:v21+s22+$0x0] =	vst.idx.msk $0xffff, v12  }
0x19f: {  	v19 =	vor.u32 v0, v4;
	v17 =	vor.u32 v0, v5;
	v0 =	vld [tilespmem:$0x1FDA0];
	[tilespmem:v7+s22+$0x0] =	vst.idx.msk $0xffff, v13  }
0x1a0: {  	[tilespmem:v22+s22+$0x0] =	vst.idx.msk $0xffff, v8  }
0x1a1: {  	v14 =	vor.u32 v31, v39;
	v45 =	vld [tilespmem:$0x1FE90]  }
0x1a2: {  	v15 =	vor.u32 v33, v26;
	v9 =	vld.idx.msk [tilespmem:v9+s12+$0x0], $0xffff  }
0x1a3: {  	v10 =	vor.u32 s24, v27;
	v11 =	vld.idx.msk [tilespmem:v11+s12+$0x0], $0xffff;
	[tilespmem:v6+s22+$0x0] =	vst.idx.msk $0xffff, v16  }
0x1a4: {  	v20 =	vor.u32 s25, v52;
	v21 =	vor.u32 v0, v23;
	v7 =	vor.u32 v0, v3;
	v0 =	vld [tilespmem:$0x1FCE0]  }
0x1a5: {  	v18 =	vld.idx.msk [tilespmem:v18+s12+$0x0], $0xffff;
	v8 =	vor.u32 s26, v52  }
0x1a6: {  	v14 =	vld.idx.msk [tilespmem:v14+s12+$0x0], $0xffff;
	v13 =	vor.u32 s23, v45  }
0x1a7: {  	v15 =	vld.idx.msk [tilespmem:v15+s12+$0x0], $0xffff  }
0x1a8: {  	v12 =	vor.u32 v2, v44;
	v22 =	vor.u32 s14, v24;
	v19 =	vld.idx.msk [tilespmem:v19+s12+$0x0], $0xffff;
	[tilespmem:v10+s22+$0x0] =	vst.idx.msk $0xffff, v9  }
0x1a9: {  	v24 =	vld [tilespmem:$0x1FCF0];
	[tilespmem:v20+s22+$0x0] =	vst.idx.msk $0xffff, v11;
	v16 =	vor.u32 s28, v0  }
0x1aa: {  	[tilespmem:v8+s22+$0x0] =	vst.idx.msk $0xffff, v18  }
0x1ab: {  	v17 =	vld.idx.msk [tilespmem:v17+s12+$0x0], $0xffff;
	v11 =	vor.u32 s29, v0;
	[tilespmem:v13+s22+$0x0] =	vst.idx.msk $0xffff, v14  }
0x1ac: {  	v0 =	vld [tilespmem:$0x1FDB0]  }
0x1ad: {  	v6 =	vor.u32 v63, v39;
	v12 =	vld.idx.msk [tilespmem:v12+s12+$0x0], $0xffff;
	[tilespmem:v22+s22+$0x0] =	vst.idx.msk $0xffff, v15  }
0x1ae: {  	v9 =	vor.u32 v30, v26;
	v21 =	vld.idx.msk [tilespmem:v21+s12+$0x0], $0xffff;
	[tilespmem:v16+s22+$0x0] =	vst.idx.msk $0xffff, v19  }
0x1af: {  	v8 =	vor.u32 s24, v57;
	v50 =	vld [tilespmem:$0x1FEA0]  }
0x1b0: {  	v7 =	vld.idx.msk [tilespmem:v7+s12+$0x0], $0xffff;
	[tilespmem:v11+s22+$0x0] =	vst.idx.msk $0xffff, v17  }
0x1b1: {  	v10 =	vor.u32 v24, v4;
	v14 =	vor.u32 v0, v23;
	v16 =	vor.u32 v0, v3;
	v0 =	vld [tilespmem:$0x1FD00]  }
0x1b2: {  	v18 =	vor.u32 s25, v54;
	v20 =	vor.u32 v24, v5;
	v6 =	vld.idx.msk [tilespmem:v6+s12+$0x0], $0xffff  }
0x1b3: {  	v13 =	vor.u32 v61, v44;
	v15 =	vor.u32 s26, v54;
	v9 =	vld.idx.msk [tilespmem:v9+s12+$0x0], $0xffff  }
0x1b4: {  	v27 =	vld [tilespmem:$0x1FDF0];
	[tilespmem:v8+s22+$0x0] =	vst.idx.msk $0xffff, v12;
	v19 =	vor.u32 s23, v50  }
0x1b5: {  	v22 =	vor.u32 s14, v37;
	v24 =	vld [tilespmem:$0x1FD10]  }
0x1b6: {  	v10 =	vld.idx.msk [tilespmem:v10+s12+$0x0], $0xffff;
	v17 =	vor.u32 s28, v0  }
0x1b7: {  	v20 =	vld.idx.msk [tilespmem:v20+s12+$0x0], $0xffff;
	[tilespmem:v18+s22+$0x0] =	vst.idx.msk $0xffff, v21;
	v18 =	vor.u32 s29, v0  }
0x1b8: {  	v13 =	vld.idx.msk [tilespmem:v13+s12+$0x0], $0xffff;
	[tilespmem:v15+s22+$0x0] =	vst.idx.msk $0xffff, v7  }
0x1b9: {  	v8 =	vor.u32 v35, v26;
	v14 =	vld.idx.msk [tilespmem:v14+s12+$0x0], $0xffff;
	[tilespmem:v19+s22+$0x0] =	vst.idx.msk $0xffff, v6  }
0x1ba: {  	v7 =	vor.u32 s24, v46;
	v12 =	vor.u32 v24, v4;
	v21 =	vor.u32 v24, v5;
	v24 =	vld [tilespmem:$0x1FDC0];
	[tilespmem:v22+s22+$0x0] =	vst.idx.msk $0xffff, v9  }
0x1bb: {  	v16 =	vld.idx.msk [tilespmem:v16+s12+$0x0], $0xffff;
	[tilespmem:v17+s22+$0x0] =	vst.idx.msk $0xffff, v10  }
0x1bc: {  	v11 =	vor.u32 v27, v39;
	v6 =	vor.u32 v31, v44;
	v31 =	vld [tilespmem:$0x1FEB0];
	[tilespmem:v18+s22+$0x0] =	vst.idx.msk $0xffff, v20  }
0x1bd: {  	v0 =	vld [tilespmem:$0x1FD20]  }
0x1be: {  	v15 =	vor.u32 s25, v56;
	v8 =	vld.idx.msk [tilespmem:v8+s12+$0x0], $0xffff  }
0x1bf: {  	v9 =	vor.u32 s26, v56;
	v52 =	vld [tilespmem:$0x1FE00];
	[tilespmem:v7+s22+$0x0] =	vst.idx.msk $0xffff, v13  }
0x1c0: {  	v22 =	vor.u32 s14, v1;
	v1 =	vld [tilespmem:$0x1FD30]  }
0x1c1: {  	v11 =	vld.idx.msk [tilespmem:v11+s12+$0x0], $0xffff;
	v17 =	vor.u32 s23, v31  }
0x1c2: {  	v12 =	vld.idx.msk [tilespmem:v12+s12+$0x0], $0xffff;
	v20 =	vor.u32 s28, v0  }
0x1c3: {  	[tilespmem:v15+s22+$0x0] =	vst.idx.msk $0xffff, v14  }
0x1c4: {  	v21 =	vld.idx.msk [tilespmem:v21+s12+$0x0], $0xffff;
	v7 =	vor.u32 v49, v25;
	v19 =	vor.u32 v24, v23;
	[tilespmem:v9+s22+$0x0] =	vst.idx.msk $0xffff, v16  }
0x1c5: {  	v14 =	vor.u32 s29, v0;
	v13 =	vor.u32 v1, v4;
	v15 =	vor.u32 v1, v5;
	v1 =	vld [tilespmem:$0x1FDD0];
	[tilespmem:v22+s22+$0x0] =	vst.idx.msk $0xffff, v8  }
0x1c6: {  	[tilespmem:v17+s22+$0x0] =	vst.idx.msk $0xffff, v11  }
0x1c7: {  	v6 =	vld.idx.msk [tilespmem:v6+s12+$0x0], $0xffff;
	[tilespmem:v20+s22+$0x0] =	vst.idx.msk $0xffff, v12  }
0x1c8: {  	v0 =	vld [tilespmem:$0x1FEC0]  }
0x1c9: {  	v10 =	vor.u32 v24, v3;
	v7 =	vld.idx.msk [tilespmem:v7+s12+$0x0], $0xffff  }
0x1ca: {  	v18 =	vor.u32 v52, v39;
	v19 =	vld.idx.msk [tilespmem:v19+s12+$0x0], $0xffff;
	[tilespmem:v14+s22+$0x0] =	vst.idx.msk $0xffff, v21  }
0x1cb: {  	v9 =	vor.u32 s24, v45;
	v16 =	vor.u32 s25, v1;
	v8 =	vor.u32 s26, v1;
	v1 =	vld [tilespmem:$0x1FF20]  }
0x1cc: {  	v46 =	vmov v23;
	v17 =	vor.u32 v59, v23;
	v23 =	vld [tilespmem:$0x1FD40]  }
0x1cd: {  	v20 =	vor.u32 s23, v0;
	v0 =	vld [tilespmem:$0x1FE10]  }
0x1ce: {  	v10 =	vld.idx.msk [tilespmem:v10+s12+$0x0], $0xffff  }
0x1cf: {  	v18 =	vld.idx.msk [tilespmem:v18+s12+$0x0], $0xffff  }
0x1d0: {  	v13 =	vld.idx.msk [tilespmem:v13+s12+$0x0], $0xffff;
	[tilespmem:v9+s22+$0x0] =	vst.idx.msk $0xffff, v6;
	v21 =	vor.u32 s0, v1  }
0x1d1: {  	v22 =	vor.u32 s28, v23;
	v24 =	vld [tilespmem:$0x1FD50]  }
0x1d2: {  	v14 =	vor.u32 v0, v39;
	v0 =	vld [tilespmem:$0x1FE50];
	[tilespmem:v16+s22+$0x0] =	vst.idx.msk $0xffff, v19  }
0x1d3: {  	v11 =	vor.u32 v63, v44;
	[tilespmem:v8+s22+$0x0] =	vst.idx.msk $0xffff, v10  }
0x1d4: {  	v16 =	vor.u32 s29, v23;
	v23 =	vld [tilespmem:$0x1FF70];
	[tilespmem:v20+s22+$0x0] =	vst.idx.msk $0xffff, v18  }
0x1d5: {  	v12 =	vor.u32 v59, v3;
	[tilespmem:v21+s22+$0x0] =	vst.idx.msk $0xffff, v7  }
0x1d6: {  	v15 =	vld.idx.msk [tilespmem:v15+s12+$0x0], $0xffff;
	v9 =	vor.u32 v24, v4;
	[tilespmem:v22+s22+$0x0] =	vst.idx.msk $0xffff, v13  }
0x1d7: {  	v2 =	vld [tilespmem:$0x1FF50];
	v6 =	vor.u32 v0, v25  }
0x1d8: {  	v11 =	vld.idx.msk [tilespmem:v11+s12+$0x0], $0xffff  }
0x1d9: {  	v8 =	vor.u32 s24, v50;
	v17 =	vld.idx.msk [tilespmem:v17+s12+$0x0], $0xffff  }
0x1da: {  	v12 =	vld.idx.msk [tilespmem:v12+s12+$0x0], $0xffff  }
0x1db: {  	v10 =	vor.u32 s25, v23;
	v28 =	vld.idx.msk [tilespmem:v9+s12+$0x0], $0xffff  }
0x1dc: {  	[tilespmem:v16+s22+$0x0] =	vst.idx.msk $0xffff, v15;
	v7 =	vor.u32 s26, v23;
	v13 =	vor.u32 v2, v3;
	v2 =	vld.idx.msk [tilespmem:v6+s12+$0x0], $0xffff  }
0x1dd: {  	v6 =	vld [tilespmem:$0x1FF40]  }
0x1de: {  	v9 =	vld [tilespmem:$0x1FD60];
	[tilespmem:v8+s22+$0x0] =	vst.idx.msk $0xffff, v11  }
0x1df: {  	v11 =	vld [tilespmem:$0x1FF60]  }
0x1e0: {  	v15 =	vld [tilespmem:$0x1FD70];
	[tilespmem:v10+s22+$0x0] =	vst.idx.msk $0xffff, v17  }
0x1e1: {  	v19 =	vor.u32 v24, v5;
	v21 =	vor.u32 s23, v53;
	v14 =	vld.idx.msk [tilespmem:v14+s12+$0x0], $0xffff;
	[tilespmem:v7+s22+$0x0] =	vst.idx.msk $0xffff, v12  }
0x1e2: {  	v7 =	vld [tilespmem:$0x1FFC0];
	v24 =	vor.u32 s0, v6;
	_ =	sdelay $0x2  }
0x1e3: {  	v18 =	vor.u32 v27, v44  }
0x1e4: {  	v23 =	vld.idx.msk [tilespmem:v19+s12+$0x0], $0xffff;
	v22 =	vor.u32 s28, v9;
	[tilespmem:v21+s22+$0x0] =	vst.idx.msk $0xffff, v14  }
0x1e5: {  	v20 =	vor.u32 v49, v26;
	v57 =	vor.u32 s29, v9;
	v9 =	vor.u32 v7, v4;
	v7 =	vld [tilespmem:$0x1FFB0];
	[tilespmem:v24+s22+$0x0] =	vst.idx.msk $0xffff, v2  }
0x1e6: {  	v10 =	vor.u32 v0, v26;
	v0 =	vld [tilespmem:$0x1FF80]  }
0x1e7: {  	v16 =	vor.u32 v51, v39  }
0x1e8: {  	v30 =	vld.idx.msk [tilespmem:v18+s12+$0x0], $0xffff;
	v8 =	vor.u32 v11, v25  }
0x1e9: {  	v19 =	vld.idx.msk [tilespmem:v13+s12+$0x0], $0xffff;
	v53 =	vor.u32 v15, v4;
	[tilespmem:v22+s22+$0x0] =	vst.idx.msk $0xffff, v28  }
0x1ea: {  	v25 =	vor.u32 v15, v5;
	v15 =	vld.idx.msk [tilespmem:v20+s12+$0x0], $0xffff;
	[tilespmem:v57+s22+$0x0] =	vst.idx.msk $0xffff, v23  }
0x1eb: {  	v18 =	vor.u32 s24, v31;
	v20 =	vor.u32 s26, v0;
	v0 =	vld [tilespmem:$0x1FF30]  }
0x1ec: {  	s30 =	smul.u32 $0x320, s19;
	v14 =	vld.idx.msk [tilespmem:v16+s12+$0x0], $0xffff  }
0x1ed: {  	s11 =	smul.u32 $0xC80, s20;
	v12 =	vor.u32 s14, v1;
	v13 =	vld.idx.msk [tilespmem:v8+s12+$0x0], $0xffff  }
0x1ee: {  	v17 =	vor.u32 s23, v38;
	v21 =	vor.u32 v41, v3;
	v31 =	vor.u32 v11, v26;
	v22 =	vld.idx.msk [tilespmem:v53+s12+$0x0], $0xffff  }
0x1ef: {  	s31 =	sadd.s32 s4, s30;
	s7 =	simm.s32 $0x6;
	s1 =	sshrl.u32 s11, $0x2;
	v1 =	vmovc v27;
	v11 =	vor.u32 s14, v6;
	v2 =	vmovc v35;
	v45 =	vor.u32 s29, v7;
	v24 =	vor.u32 s28, v7;
	v23 =	vld.idx.msk [tilespmem:v25+s12+$0x0], $0xffff  }
0x1f0: {  	[tilespmem:v18+s22+$0x0] =	vst.idx.msk $0xffff, v30;
	v18 =	vor.u32 v52, v44;
	v8 =	vor.u32 s14, v0;
	v16 =	vor.u32 s0, v0;
	s0 =	simm.s32 $0x1200;
	s14 =	sadd.s32 $0x20, s8;
	s8 =	sadd.s32 $0x20, s10;
	v0 =	vmovc v52  }
.LBB2_3:
0x1f1: {  	v26 =	vld [tilespmem:s8+$0x0]  }
0x1f2: {  	v38 =	vld [tilespmem:$0x1FE30]  }
0x1f3: {  	v6 =	vld [tilespmem:$0x1FE60]  }
0x1f4: {  	v33 =	vld [tilespmem:$0x1FEC0]  }
0x1f5: {  	v30 =	vld [tilespmem:$0x1FE10]  }
0x1f6: {  	v37 =	vld [tilespmem:$0x1FEF0]  }
0x1f7: {  	v57 =	vld [tilespmem:$0x1FF50]  }
0x1f8: {  	v34 =	vld [tilespmem:$0x1FED0]  }
0x1f9: {  	v25 =	vor.u32 s14, v29;
	v41 =	vld [tilespmem:$0x1FE20];
	[tilespmem:v20+s22+$0x0] =	vst.idx.msk $0xffff, v19  }
0x1fa: {  	s11 =	sadd.s32 $0x10, s14;
	v28 =	vor.u32 v43, v5;
	v20 =	vld.idx.msk [tilespmem:v21+s12+$0x0], $0xffff;
	[tilespmem:v12+s22+$0x0] =	vst.idx.msk $0xffff, v15;
	v12 =	vmulhi.u32 $0x51EB851F, v25  }
0x1fb: {  	[tilespmem:v17+s22+$0x0] =	vst.idx.msk $0xffff, v14;
	v15 =	vor.u32 s11, v29;
	v10 =	vld.idx.msk [tilespmem:v10+s12+$0x0], $0xffff  }
0x1fc: {  	v19 =	vmulhi.u32 $0x51EB851F, v15;
	v17 =	vld [tilespmem:s8+$0xFFFFFFF0];
	[tilespmem:v24+s22+$0x0] =	vst.idx.msk $0xffff, v22;
	v12 =	vshrl.u32 v12, $0x4  }
0x1fd: {  	v27 =	vor.u32 s0, v47;
	s10 =	smov.u32 s23;
	s23 =	smov.u32 s26;
	[tilespmem:v16+s22+$0x0] =	vst.idx.msk $0xffff, v13;
	v14 =	vor.u32 v38, v39;
	v18 =	vld.idx.msk [tilespmem:v18+s12+$0x0], $0xffff;
	v12 =	vmul.u32 $0x32, v12  }
0x1fe: {  	v16 =	vor.u32 v60, v3;
	[tilespmem:v45+s22+$0x0] =	vst.idx.msk $0xffff, v23;
	v21 =	vor.u32 s23, v6;
	v9 =	vld.idx.msk [tilespmem:v9+s12+$0x0], $0xffff;
	v13 =	vshrl.u32 v19, $0x4  }
0x1ff: {  	v52 =	vmovc v32;
	v19 =	vor.u32 s24, v33;
	v13 =	vmul.u32 $0x32, v13;
	v12 =	vsub.s32 v25, v12;
	v25 =	vld.idx.msk [tilespmem:v28+s12+$0x0], $0xffff  }
0x200: {  	s26 =	smov.u32 s29;
	v23 =	vor.u32 s28, v58;
	v24 =	vor.u32 v32, v4;
	[tilespmem:v11+s22+$0x0] =	vst.idx.msk $0xffff, v10;
	v11 =	vor.u32 v32, v5;
	v32 =	vld [tilespmem:$0x1FE70]  }
0x201: {  	v51 =	vmovc v58;
	v22 =	vor.u32 v30, v44;
	v13 =	vsub.s32 v15, v13;
	v15 =	vor.u32 s26, v58;
	v58 =	vld [tilespmem:$0x1FF80]  }
0x202: {  	v45 =	vmov v27;
	v27 =	vld.idx.msk [tilespmem:v14+s12+$0x0], $0xffff  }
0x203: {  	v10 =	vmul.u32 $0x27, v13;
	[tilespmem:v21+s22+$0x0] =	vst.idx.msk $0xffff, v20;
	v7 =	vld.idx.msk [tilespmem:v31+s12+$0x0], $0xffff  }
0x204: {  	v12 =	vmul.u32 $0x27, v12;
	v31 =	vld [tilespmem:$0x1FFA0];
	[tilespmem:v19+s22+$0x0] =	vst.idx.msk $0xffff, v18  }
0x205: {  	v16 =	vld.idx.msk [tilespmem:v16+s12+$0x0], $0xffff;
	v10 =	vadd.s32 v10, v26;
	[tilespmem:v23+s22+$0x0] =	vst.idx.msk $0xffff, v9  }
0x206: {  	v12 =	vadd.s32 v12, v17;
	v13 =	vshll.u32 v10, $0x5;
	v10 =	vld.idx.msk [tilespmem:v22+s12+$0x0], $0xffff  }
0x207: {  	v14 =	vshll.u32 v12, $0x5;
	v23 =	vld.idx.msk [tilespmem:v24+s12+$0x0], $0xffff  }
0x208: {  	v50 =	vmovc v43;
	v20 =	vor.u32 s10, v37;
	v12 =	vor.u32 v57, v46;
	v9 =	vor.u32 v43, v14;
	v43 =	vld [tilespmem:$0x1FEE0]  }
0x209: {  	v18 =	vor.u32 v29, v14;
	v22 =	vor.u32 v29, v13;
	v29 =	vld [tilespmem:$0x1FE80];
	v21 =	vor.u32 v31, v39  }
0x20a: {  	v53 =	vmovc v48;
	v17 =	vor.u32 s23, v32;
	[tilespmem:v15+s22+$0x0] =	vst.idx.msk $0xffff, v25;
	v15 =	vor.u32 s28, v48;
	v25 =	vor.u32 s26, v48;
	v48 =	vld [tilespmem:$0x1FD80]  }
0x20b: {  	v49 =	vmov v47;
	v47 =	vmov v39;
	v39 =	vld [tilespmem:$0x1FF00]  }
0x20c: {  	v19 =	vor.u32 s24, v34;
	v11 =	vld.idx.msk [tilespmem:v11+s12+$0x0], $0xffff;
	[tilespmem:v8+s22+$0x0] =	vst.idx.msk $0xffff, v7  }
0x20d: {  	v24 =	vor.u32 v61, v3;
	[tilespmem:v20+s22+$0x0] =	vst.idx.msk $0xffff, v27;
	v8 =	vld.idx.msk [tilespmem:v12+s12+$0x0], $0xffff  }
0x20e: {  	v20 =	vor.u32 v40, v4;
	v21 =	vld.idx.msk [tilespmem:v21+s12+$0x0], $0xffff  }
0x20f: {  	s11 =	sadd.s32 $0xFFFFFE00, s0;
	v7 =	vor.u32 v40, v5;
	v27 =	vor.u32 s0, v62;
	[tilespmem:v17+s22+$0x0] =	vst.idx.msk $0xffff, v16;
	v16 =	vld.idx.msk [tilespmem:v18+s12+$0x0], $0xffff;
	v17 =	vor.u32 s25, v58  }
0x210: {  	v35 =	vmovc v62;
	v12 =	vor.u32 v41, v44;
	v26 =	vor.u32 s10, v39;
	v18 =	vor.u32 s11, v62;
	v62 =	vld [tilespmem:$0x1FDE0]  }
0x211: {  	[tilespmem:v19+s22+$0x0] =	vst.idx.msk $0xffff, v10;
	v10 =	vor.u32 v2, v47;
	v22 =	vld.idx.msk [tilespmem:v22+s12+$0x0], $0xffff  }
0x212: {  	[tilespmem:v15+s22+$0x0] =	vst.idx.msk $0xffff, v23;
	v15 =	vld.idx.msk [tilespmem:v24+s12+$0x0], $0xffff  }
0x213: {  	[tilespmem:v25+s22+$0x0] =	vst.idx.msk $0xffff, v11;
	v20 =	vld.idx.msk [tilespmem:v20+s12+$0x0], $0xffff  }
0x214: {  	v19 =	vor.u32 v36, v14;
	v7 =	vld.idx.msk [tilespmem:v7+s12+$0x0], $0xffff;
	[tilespmem:v17+s22+$0x0] =	vst.idx.msk $0xffff, v8  }
0x215: {  	v23 =	vor.u32 v36, v13;
	[tilespmem:v26+s22+$0x0] =	vst.idx.msk $0xffff, v21;
	v8 =	vld.idx.msk [tilespmem:v12+s12+$0x0], $0xffff  }
0x216: {  	v24 =	vor.u32 s28, v55;
	v25 =	vor.u32 v62, v46;
	v10 =	vld.idx.msk [tilespmem:v10+s12+$0x0], $0xffff  }
0x217: {  	v21 =	vor.u32 v48, v4;
	[tilespmem:v18+s22+$0x0] =	vst.idx.msk $0xffff, v16;
	v12 =	vor.u32 v48, v5;
	v48 =	vld [tilespmem:$0x1FF10]  }
0x218: {  	v11 =	vor.u32 s23, v29;
	[tilespmem:v27+s22+$0x0] =	vst.idx.msk $0xffff, v22;
	v27 =	vld [tilespmem:$0x1FCC0]  }
0x219: {  	v26 =	vor.u32 s26, v55;
	v17 =	vld.idx.msk [tilespmem:v19+s12+$0x0], $0xffff  }
0x21a: {  	v23 =	vld.idx.msk [tilespmem:v23+s12+$0x0], $0xffff  }
0x21b: {  	v19 =	vor.u32 v38, v44;
	v38 =	vld [tilespmem:$0x1FCD0];
	[tilespmem:v24+s22+$0x0] =	vst.idx.msk $0xffff, v20  }
0x21c: {  	v18 =	vor.u32 v42, v3;
	v20 =	vld.idx.msk [tilespmem:v25+s12+$0x0], $0xffff  }
0x21d: {  	v28 =	vor.u32 s24, v43;
	[tilespmem:v11+s22+$0x0] =	vst.idx.msk $0xffff, v15;
	v21 =	vld.idx.msk [tilespmem:v21+s12+$0x0], $0xffff  }
0x21e: {  	[tilespmem:v26+s22+$0x0] =	vst.idx.msk $0xffff, v7;
	v7 =	vor.u32 s25, v6;
	v6 =	vld [tilespmem:$0x1FDA0];
	v16 =	vor.u32 s10, v48  }
0x21f: {  	v22 =	vor.u32 s11, v27;
	v15 =	vor.u32 s0, v27;
	v27 =	vld [tilespmem:$0x1FD90]  }
0x220: {  	v12 =	vld.idx.msk [tilespmem:v12+s12+$0x0], $0xffff  }
0x221: {  	v18 =	vld.idx.msk [tilespmem:v18+s12+$0x0], $0xffff;
	v11 =	vor.u32 v38, v14  }
0x222: {  	[tilespmem:v28+s22+$0x0] =	vst.idx.msk $0xffff, v8;
	v28 =	vld [tilespmem:$0x1FCE0]  }
0x223: {  	v24 =	vor.u32 v38, v13;
	v38 =	vld [tilespmem:$0x1FF90];
	[tilespmem:v16+s22+$0x0] =	vst.idx.msk $0xffff, v10  }
0x224: {  	v8 =	vor.u32 v6, v4;
	[tilespmem:v22+s22+$0x0] =	vst.idx.msk $0xffff, v17;
	v10 =	vor.u32 v6, v5;
	v6 =	vld [tilespmem:$0x1FE90]  }
0x225: {  	v25 =	vor.u32 s28, v27;
	v17 =	vld.idx.msk [tilespmem:v19+s12+$0x0], $0xffff  }
0x226: {  	v27 =	vor.u32 s26, v27;
	v11 =	vld.idx.msk [tilespmem:v11+s12+$0x0], $0xffff  }
0x227: {  	v26 =	vor.u32 v60, v46;
	[tilespmem:v7+s22+$0x0] =	vst.idx.msk $0xffff, v20;
	v7 =	vor.u32 v31, v44;
	v31 =	vld [tilespmem:$0x1FCF0]  }
0x228: {  	v19 =	vor.u32 s24, v37;
	[tilespmem:v15+s22+$0x0] =	vst.idx.msk $0xffff, v23;
	v37 =	vld [tilespmem:$0x1FEB0]  }
0x229: {  	v23 =	vld.idx.msk [tilespmem:v24+s12+$0x0], $0xffff  }
0x22a: {  	v22 =	vor.u32 s11, v28;
	v24 =	vor.u32 s0, v28;
	v28 =	vld [tilespmem:$0x1FDB0];
	[tilespmem:v25+s22+$0x0] =	vst.idx.msk $0xffff, v21  }
0x22b: {  	[tilespmem:v27+s22+$0x0] =	vst.idx.msk $0xffff, v12;
	v12 =	vor.u32 s25, v32;
	v32 =	vld [tilespmem:$0x1FEA0]  }
0x22c: {  	v16 =	vor.u32 s23, v6;
	v21 =	vld.idx.msk [tilespmem:v26+s12+$0x0], $0xffff  }
0x22d: {  	v15 =	vor.u32 v63, v3;
	v8 =	vld.idx.msk [tilespmem:v8+s12+$0x0], $0xffff  }
0x22e: {  	v20 =	vor.u32 v31, v14;
	v25 =	vor.u32 v31, v13;
	v10 =	vld.idx.msk [tilespmem:v10+s12+$0x0], $0xffff;
	[tilespmem:v19+s22+$0x0] =	vst.idx.msk $0xffff, v17  }
0x22f: {  	v31 =	vor.u32 v1, v46;
	[tilespmem:v22+s22+$0x0] =	vst.idx.msk $0xffff, v11;
	v22 =	vor.u32 v1, v3;
	v1 =	vld [tilespmem:$0x1FF40]  }
0x230: {  	v27 =	vor.u32 v61, v46;
	v26 =	vor.u32 s28, v54;
	v7 =	vld.idx.msk [tilespmem:v7+s12+$0x0], $0xffff  }
0x231: {  	v11 =	vor.u32 v28, v5;
	[tilespmem:v16+s22+$0x0] =	vst.idx.msk $0xffff, v18;
	v16 =	vor.u32 v28, v4;
	v28 =	vld [tilespmem:$0x1FD00]  }
0x232: {  	v18 =	vor.u32 s26, v54;
	v15 =	vld.idx.msk [tilespmem:v15+s12+$0x0], $0xffff  }
0x233: {  	v20 =	vld.idx.msk [tilespmem:v20+s12+$0x0], $0xffff;
	[tilespmem:v24+s22+$0x0] =	vst.idx.msk $0xffff, v23  }
0x234: {  	v17 =	vor.u32 s23, v32;
	[tilespmem:v12+s22+$0x0] =	vst.idx.msk $0xffff, v21;
	v12 =	vor.u32 v2, v44;
	v2 =	vld [tilespmem:$0x1FD10]  }
0x235: {  	v19 =	vor.u32 s24, v39;
	v25 =	vld.idx.msk [tilespmem:v25+s12+$0x0], $0xffff;
	[tilespmem:v26+s22+$0x0] =	vst.idx.msk $0xffff, v8  }
0x236: {  	v8 =	vld.idx.msk [tilespmem:v27+s12+$0x0], $0xffff;
	v24 =	vor.u32 s11, v28  }
0x237: {  	v16 =	vld.idx.msk [tilespmem:v16+s12+$0x0], $0xffff;
	[tilespmem:v18+s22+$0x0] =	vst.idx.msk $0xffff, v10  }
0x238: {  	v11 =	vld.idx.msk [tilespmem:v11+s12+$0x0], $0xffff  }
0x239: {  	v28 =	vor.u32 s0, v28;
	v21 =	vor.u32 v2, v14;
	v26 =	vor.u32 v2, v13;
	[tilespmem:v17+s22+$0x0] =	vst.idx.msk $0xffff, v15;
	v2 =	vld [tilespmem:$0x1FDC0]  }
0x23a: {  	v18 =	vor.u32 s25, v29;
	[tilespmem:v19+s22+$0x0] =	vst.idx.msk $0xffff, v7;
	v22 =	vld.idx.msk [tilespmem:v22+s12+$0x0], $0xffff  }
0x23b: {  	v17 =	vor.u32 s26, v56;
	[tilespmem:v24+s22+$0x0] =	vst.idx.msk $0xffff, v20;
	v24 =	vor.u32 v0, v3;
	v0 =	vld [tilespmem:$0x1FE50]  }
0x23c: {  	v27 =	vor.u32 s28, v56;
	v20 =	vor.u32 s24, v48;
	v48 =	vld [tilespmem:$0x1FD30]  }
0x23d: {  	v29 =	vor.u32 v42, v46;
	v12 =	vld.idx.msk [tilespmem:v12+s12+$0x0], $0xffff  }
0x23e: {  	[tilespmem:v28+s22+$0x0] =	vst.idx.msk $0xffff, v25;
	v15 =	vor.u32 v2, v4;
	v7 =	vor.u32 v2, v5;
	v2 =	vld [tilespmem:$0x1FD20]  }
0x23f: {  	v21 =	vld.idx.msk [tilespmem:v21+s12+$0x0], $0xffff;
	[tilespmem:v18+s22+$0x0] =	vst.idx.msk $0xffff, v8  }
0x240: {  	v19 =	vor.u32 s23, v37;
	v26 =	vld.idx.msk [tilespmem:v26+s12+$0x0], $0xffff;
	[tilespmem:v17+s22+$0x0] =	vst.idx.msk $0xffff, v11  }
0x241: {  	v11 =	vor.u32 s25, v6;
	v6 =	vld [tilespmem:$0x1FD40];
	[tilespmem:v27+s22+$0x0] =	vst.idx.msk $0xffff, v16  }
0x242: {  	v8 =	vor.u32 v38, v47;
	v16 =	vld.idx.msk [tilespmem:v29+s12+$0x0], $0xffff  }
0x243: {  	v25 =	vor.u32 s11, v2;
	v28 =	vor.u32 s0, v2;
	v2 =	vld [tilespmem:$0x1FDD0]  }
0x244: {  	v15 =	vld.idx.msk [tilespmem:v15+s12+$0x0], $0xffff  }
0x245: {  	v18 =	vor.u32 v48, v14;
	v7 =	vld.idx.msk [tilespmem:v7+s12+$0x0], $0xffff;
	[tilespmem:v19+s22+$0x0] =	vst.idx.msk $0xffff, v22  }
0x246: {  	v27 =	vor.u32 v48, v13;
	v24 =	vld.idx.msk [tilespmem:v24+s12+$0x0], $0xffff  }
0x247: {  	[tilespmem:v20+s22+$0x0] =	vst.idx.msk $0xffff, v12;
	v8 =	vld.idx.msk [tilespmem:v8+s12+$0x0], $0xffff  }
0x248: {  	v17 =	vor.u32 s28, v2;
	v22 =	vor.u32 s26, v2;
	[tilespmem:v25+s22+$0x0] =	vst.idx.msk $0xffff, v21;
	v2 =	vld [tilespmem:$0x1FF20]  }
0x249: {  	[tilespmem:v28+s22+$0x0] =	vst.idx.msk $0xffff, v26;
	v25 =	vor.u32 v30, v3;
	v28 =	vor.u32 s11, v6;
	v30 =	vor.u32 s0, v6;
	v6 =	vld [tilespmem:$0x1FF70]  }
0x24a: {  	v29 =	vor.u32 v63, v46;
	v18 =	vld.idx.msk [tilespmem:v18+s12+$0x0], $0xffff  }
0x24b: {  	v20 =	vor.u32 v59, v5;
	v27 =	vld.idx.msk [tilespmem:v27+s12+$0x0], $0xffff  }
0x24c: {  	v10 =	vor.u32 v0, v44;
	v21 =	vor.u32 s23, v33;
	[tilespmem:v11+s22+$0x0] =	vst.idx.msk $0xffff, v16;
	v11 =	vor.u32 v0, v47;
	v0 =	vld [tilespmem:$0x1FE00]  }
0x24d: {  	v19 =	vor.u32 v59, v4;
	v12 =	vor.u32 s24, v2;
	v26 =	vor.u32 s10, v2;
	v2 =	vld [tilespmem:$0x1FD50];
	[tilespmem:v17+s22+$0x0] =	vst.idx.msk $0xffff, v15  }
0x24e: {  	[tilespmem:v22+s22+$0x0] =	vst.idx.msk $0xffff, v7;
	v7 =	vld [tilespmem:$0x1FD60]  }
0x24f: {  	v15 =	vld.idx.msk [tilespmem:v29+s12+$0x0], $0xffff  }
0x250: {  	v20 =	vld.idx.msk [tilespmem:v20+s12+$0x0], $0xffff  }
0x251: {  	v29 =	vor.u32 s28, v6;
	[tilespmem:v21+s22+$0x0] =	vst.idx.msk $0xffff, v24;
	v21 =	vor.u32 s26, v6;
	v6 =	vld [tilespmem:$0x1FF60]  }
0x252: {  	v19 =	vld.idx.msk [tilespmem:v19+s12+$0x0], $0xffff  }
0x253: {  	v24 =	vld.idx.msk [tilespmem:v25+s12+$0x0], $0xffff;
	v16 =	vor.u32 v2, v14  }
0x254: {  	v22 =	vor.u32 s25, v32;
	v17 =	vor.u32 v2, v13;
	[tilespmem:v26+s22+$0x0] =	vst.idx.msk $0xffff, v8;
	v2 =	vld [tilespmem:$0x1FE40]  }
0x255: {  	v23 =	vor.u32 v38, v44;
	[tilespmem:v28+s22+$0x0] =	vst.idx.msk $0xffff, v18;
	v25 =	vld.idx.msk [tilespmem:v11+s12+$0x0], $0xffff  }
0x256: {  	v8 =	vor.u32 v57, v5;
	v38 =	vor.u32 v6, v44;
	v44 =	vmovc v46;
	v46 =	vmovc v4;
	v4 =	vmov v14;
	v14 =	vld [tilespmem:$0x1FD70]  }
0x257: {  	[tilespmem:v30+s22+$0x0] =	vst.idx.msk $0xffff, v27;
	v11 =	vor.u32 s24, v1;
	v27 =	vor.u32 s10, v1;
	v1 =	vld [tilespmem:$0x1FDF0]  }
0x258: {  	v18 =	vor.u32 s23, v34;
	v16 =	vld.idx.msk [tilespmem:v16+s12+$0x0], $0xffff  }
0x259: {  	v26 =	vor.u32 v41, v3;
	v30 =	vld.idx.msk [tilespmem:v17+s12+$0x0], $0xffff;
	[tilespmem:v22+s22+$0x0] =	vst.idx.msk $0xffff, v15  }
0x25a: {  	v28 =	vor.u32 s11, v7;
	v22 =	vor.u32 v6, v47;
	[tilespmem:v21+s22+$0x0] =	vst.idx.msk $0xffff, v20;
	v6 =	vld [tilespmem:$0x1FF30]  }
0x25b: {  	s7 =	sadd.s32 $0x2, s7;
	v47 =	vor.u32 s0, v7;
	v57 =	vor.u32 v14, v4;
	[tilespmem:v29+s22+$0x0] =	vst.idx.msk $0xffff, v19;
	v19 =	vld.idx.msk [tilespmem:v8+s12+$0x0], $0xffff  }
0x25c: {  	p1 =	slt.u32 s7, $0x30;
	v48 =	vor.u32 s25, v37;
	v29 =	vld.idx.msk [tilespmem:v31+s12+$0x0], $0xffff;
	v31 =	vor.u32 v14, v13  }
.Ltmp0:
0x25d: {  	v39 =	vmov v3;
	v32 =	vmov v52;
	v3 =	vmov v5;
	[tilespmem:v18+s22+$0x0] =	vst.idx.msk $0xffff, v24;
	v15 =	vld.idx.msk [tilespmem:v23+s12+$0x0], $0xffff;
	(pc) =	sbr.rel @p1 .LBB2_3-.Ltmp0, $4  }
0x25e: {  	v5 =	vmov v13;
	v20 =	vor.u32 s26, v58;
	v21 =	vor.u32 v62, v3;
	v14 =	vld.idx.msk [tilespmem:v26+s12+$0x0], $0xffff;
	[tilespmem:v27+s22+$0x0] =	vst.idx.msk $0xffff, v25  }
0x25f: {  	s29 =	smov.u32 s0;
	v17 =	vor.u32 s23, v43;
	v43 =	vmovc v50;
	v62 =	vmov v35;
	v58 =	vmov v51;
	[tilespmem:v28+s22+$0x0] =	vst.idx.msk $0xffff, v16;
	v13 =	vld.idx.msk [tilespmem:v22+s12+$0x0], $0xffff  }
0x260: {  	v18 =	vor.u32 v0, v44;
	[tilespmem:v47+s22+$0x0] =	vst.idx.msk $0xffff, v30;
	v8 =	vor.u32 s24, v6;
	v16 =	vor.u32 s10, v6;
	s24 =	smov.u32 s25;
	s25 =	smov.u32 s28;
	s28 =	smov.u32 s11;
	v22 =	vld.idx.msk [tilespmem:v57+s12+$0x0], $0xffff  }
0x261: {  	s14 =	sadd.s32 $0x20, s14;
	s8 =	sadd.s32 $0x20, s8;
	s0 =	sadd.s32 $0x400, s0;
	v47 =	vmovc v49;
	v24 =	vor.u32 s28, v49;
	v23 =	vld.idx.msk [tilespmem:v31+s12+$0x0], $0xffff;
	v31 =	vmovc v38;
	[tilespmem:v48+s22+$0x0] =	vst.idx.msk $0xffff, v29;
	v48 =	vmov v53;
	v29 =	vlaneseq.u32  }
0x262: {  	_ = 	snop  }
0x263: {  	v25 =	vor.u32 v43, v5;
	_ =	sdelay $0x2  }
0x264: {  	[tilespmem:v24+s22+$0x0] =	vst.idx.msk $0xffff, v22  }
0x265: {  	v34 =	vor.u32 s28, v58;
	[tilespmem:v45+s22+$0x0] =	vst.idx.msk $0xffff, v23;
	v9 =	vld.idx.msk [tilespmem:v9+s12+$0x0], $0xffff  }
0x266: {  	v33 =	vor.u32 s29, v58;
	v37 =	vor.u32 v32, v4;
	v6 =	vld.idx.msk [tilespmem:v25+s12+$0x0], $0xffff  }
0x267: {  	v35 =	vor.u32 v32, v5;
	_ =	sdelay $0x2  }
0x268: {  	[tilespmem:v34+s22+$0x0] =	vst.idx.msk $0xffff, v9  }
0x269: {  	v45 =	vor.u32 s28, v48;
	[tilespmem:v33+s22+$0x0] =	vst.idx.msk $0xffff, v6;
	v41 =	vld.idx.msk [tilespmem:v37+s12+$0x0], $0xffff  }
0x26a: {  	v38 =	vor.u32 s29, v48;
	v50 =	vor.u32 v40, v4;
	v6 =	vld.idx.msk [tilespmem:v35+s12+$0x0], $0xffff  }
0x26b: {  	v49 =	vor.u32 v40, v5;
	_ =	sdelay $0x2  }
0x26c: {  	[tilespmem:v45+s22+$0x0] =	vst.idx.msk $0xffff, v41  }
0x26d: {  	v52 =	vor.u32 s28, v55;
	[tilespmem:v38+s22+$0x0] =	vst.idx.msk $0xffff, v6;
	v22 =	vld.idx.msk [tilespmem:v50+s12+$0x0], $0xffff  }
0x26e: {  	v51 =	vor.u32 s29, v55;
	v6 =	vld.idx.msk [tilespmem:v49+s12+$0x0], $0xffff  }
0x26f: {  	v7 =	vld [tilespmem:$0x1FD80];
	_ =	sdelay $0x2  }
0x270: {  	[tilespmem:v52+s22+$0x0] =	vst.idx.msk $0xffff, v22  }
0x271: {  	[tilespmem:v51+s22+$0x0] =	vst.idx.msk $0xffff, v6  }
0x272: {  	v53 =	vor.u32 v7, v5;
	v26 =	vld [tilespmem:$0x1FD90]  }
0x273: {  	v57 =	vor.u32 v7, v4;
	_ =	sdelay $0x2  }
0x274: {  	v35 =	vld [tilespmem:$0x1FDA0]  }
0x275: {  	v6 =	vld.idx.msk [tilespmem:v53+s12+$0x0], $0xffff;
	v33 =	vor.u32 s29, v26  }
0x276: {  	v22 =	vld.idx.msk [tilespmem:v57+s12+$0x0], $0xffff;
	v34 =	vor.u32 s28, v26;
	_ =	sdelay $0x3  }
0x277: {  	[tilespmem:v33+s22+$0x0] =	vst.idx.msk $0xffff, v6  }
0x278: {  	v37 =	vor.u32 v35, v5;
	[tilespmem:v34+s22+$0x0] =	vst.idx.msk $0xffff, v22  }
0x279: {  	v38 =	vor.u32 v35, v4;
	v49 =	vld [tilespmem:$0x1FDB0];
	_ =	sdelay $0x3  }
0x27a: {  	v41 =	vor.u32 s29, v54;
	v6 =	vld.idx.msk [tilespmem:v37+s12+$0x0], $0xffff  }
0x27b: {  	v45 =	vor.u32 s28, v54;
	v22 =	vld.idx.msk [tilespmem:v38+s12+$0x0], $0xffff;
	v50 =	vor.u32 v49, v5  }
0x27c: {  	v51 =	vor.u32 v49, v4;
	_ =	sdelay $0x2  }
0x27d: {  	[tilespmem:v41+s22+$0x0] =	vst.idx.msk $0xffff, v6  }
0x27e: {  	v52 =	vor.u32 s29, v56;
	[tilespmem:v45+s22+$0x0] =	vst.idx.msk $0xffff, v22;
	v6 =	vld.idx.msk [tilespmem:v50+s12+$0x0], $0xffff  }
0x27f: {  	v53 =	vor.u32 s28, v56;
	v22 =	vld.idx.msk [tilespmem:v51+s12+$0x0], $0xffff  }
0x280: {  	v57 =	vld [tilespmem:$0x1FDC0];
	_ =	sdelay $0x2  }
0x281: {  	[tilespmem:v52+s22+$0x0] =	vst.idx.msk $0xffff, v6  }
0x282: {  	[tilespmem:v53+s22+$0x0] =	vst.idx.msk $0xffff, v22  }
0x283: {  	v33 =	vor.u32 v57, v5;
	v35 =	vld [tilespmem:$0x1FDD0]  }
0x284: {  	v34 =	vor.u32 v57, v4;
	_ =	sdelay $0x3  }
0x285: {  	v6 =	vld.idx.msk [tilespmem:v33+s12+$0x0], $0xffff;
	v37 =	vor.u32 s29, v35  }
0x286: {  	v22 =	vld.idx.msk [tilespmem:v34+s12+$0x0], $0xffff;
	v38 =	vor.u32 s28, v35;
	_ =	sdelay $0x3  }
0x287: {  	[tilespmem:v37+s22+$0x0] =	vst.idx.msk $0xffff, v6  }
0x288: {  	v33 =	vld [tilespmem:$0x1FF50];
	[tilespmem:v38+s22+$0x0] =	vst.idx.msk $0xffff, v22  }
0x289: {  	v41 =	vor.u32 v59, v5;
	v34 =	vld [tilespmem:$0x1FF70]  }
0x28a: {  	v45 =	vor.u32 v59, v4;
	_ =	sdelay $0x3  }
0x28b: {  	v9 =	vld.idx.msk [tilespmem:v41+s12+$0x0], $0xffff;
	v50 =	vor.u32 s29, v34  }
0x28c: {  	v23 =	vld.idx.msk [tilespmem:v45+s12+$0x0], $0xffff;
	v51 =	vor.u32 s28, v34  }
0x28d: {  	v49 =	vor.u32 v33, v46;
	_ =	sdelay $0x2  }
0x28e: {  	v37 =	vld [tilespmem:$0x1FF80];
	[tilespmem:v50+s22+$0x0] =	vst.idx.msk $0xffff, v9  }
0x28f: {  	v52 =	vor.u32 v33, v5;
	v53 =	vld [tilespmem:$0x1FDE0];
	[tilespmem:v51+s22+$0x0] =	vst.idx.msk $0xffff, v23  }
0x290: {  	v26 =	vor.u32 v33, v4;
	v6 =	vld.idx.msk [tilespmem:v49+s12+$0x0], $0xffff;
	[tilespmem:v20+s22+$0x0] =	vst.idx.msk $0xffff, v19  }
0x291: {  	v49 =	vld [tilespmem:$0x1FE60];
	_ =	sdelay $0x1  }
0x292: {  	v27 =	vor.u32 s25, v37  }
0x293: {  	v35 =	vor.u32 s29, v37;
	v22 =	vld.idx.msk [tilespmem:v52+s12+$0x0], $0xffff  }
0x294: {  	v45 =	vor.u32 s28, v37;
	v41 =	vld.idx.msk [tilespmem:v26+s12+$0x0], $0xffff  }
0x295: {  	v19 =	vld.idx.msk [tilespmem:v21+s12+$0x0], $0xffff;
	v20 =	vor.u32 s26, v49;
	_ =	sdelay $0x1  }
0x296: {  	[tilespmem:v27+s22+$0x0] =	vst.idx.msk $0xffff, v6  }
0x297: {  	v57 =	vor.u32 v53, v46;
	[tilespmem:v35+s22+$0x0] =	vst.idx.msk $0xffff, v22  }
0x298: {  	v38 =	vor.u32 v53, v5;
	[tilespmem:v45+s22+$0x0] =	vst.idx.msk $0xffff, v41  }
0x299: {  	v28 =	vor.u32 v53, v4;
	[tilespmem:v20+s22+$0x0] =	vst.idx.msk $0xffff, v19  }
0x29a: {  	v50 =	vor.u32 v60, v3;
	v35 =	vld [tilespmem:$0x1FE70];
	_ =	sdelay $0x1  }
0x29b: {  	v51 =	vor.u32 s25, v49;
	v9 =	vld.idx.msk [tilespmem:v57+s12+$0x0], $0xffff  }
0x29c: {  	v53 =	vor.u32 s29, v49;
	v23 =	vld.idx.msk [tilespmem:v38+s12+$0x0], $0xffff  }
0x29d: {  	v27 =	vor.u32 s28, v49;
	v26 =	vld.idx.msk [tilespmem:v28+s12+$0x0], $0xffff  }
0x29e: {  	v6 =	vld.idx.msk [tilespmem:v50+s12+$0x0], $0xffff;
	v19 =	vor.u32 s26, v35;
	_ =	sdelay $0x1  }
0x29f: {  	[tilespmem:v51+s22+$0x0] =	vst.idx.msk $0xffff, v9  }
0x2a0: {  	v52 =	vor.u32 v60, v46;
	[tilespmem:v53+s22+$0x0] =	vst.idx.msk $0xffff, v23  }
0x2a1: {  	v57 =	vor.u32 v60, v5;
	[tilespmem:v27+s22+$0x0] =	vst.idx.msk $0xffff, v26  }
0x2a2: {  	v28 =	vor.u32 v60, v4;
	[tilespmem:v19+s22+$0x0] =	vst.idx.msk $0xffff, v6  }
0x2a3: {  	v38 =	vor.u32 v61, v3;
	v51 =	vld [tilespmem:$0x1FE80];
	_ =	sdelay $0x1  }
0x2a4: {  	v20 =	vld.idx.msk [tilespmem:v52+s12+$0x0], $0xffff;
	v41 =	vor.u32 s25, v35  }
0x2a5: {  	v23 =	vld.idx.msk [tilespmem:v57+s12+$0x0], $0xffff;
	v49 =	vor.u32 s29, v35  }
0x2a6: {  	v26 =	vld.idx.msk [tilespmem:v28+s12+$0x0], $0xffff;
	v27 =	vor.u32 s28, v35  }
0x2a7: {  	v6 =	vld.idx.msk [tilespmem:v38+s12+$0x0], $0xffff;
	v52 =	vor.u32 s26, v51;
	_ =	sdelay $0x1  }
0x2a8: {  	[tilespmem:v41+s22+$0x0] =	vst.idx.msk $0xffff, v20  }
0x2a9: {  	v45 =	vor.u32 v61, v46;
	[tilespmem:v49+s22+$0x0] =	vst.idx.msk $0xffff, v23  }
0x2aa: {  	v50 =	vor.u32 v61, v5;
	[tilespmem:v27+s22+$0x0] =	vst.idx.msk $0xffff, v26  }
0x2ab: {  	v28 =	vor.u32 v61, v4;
	[tilespmem:v52+s22+$0x0] =	vst.idx.msk $0xffff, v6  }
0x2ac: {  	v19 =	vor.u32 v42, v3;
	v41 =	vld [tilespmem:$0x1FE90];
	_ =	sdelay $0x1  }
0x2ad: {  	v20 =	vld.idx.msk [tilespmem:v45+s12+$0x0], $0xffff;
	v53 =	vor.u32 s25, v51  }
0x2ae: {  	v23 =	vld.idx.msk [tilespmem:v50+s12+$0x0], $0xffff;
	v35 =	vor.u32 s29, v51  }
0x2af: {  	v26 =	vld.idx.msk [tilespmem:v28+s12+$0x0], $0xffff;
	v27 =	vor.u32 s28, v51  }
0x2b0: {  	v57 =	vor.u32 v42, v46;
	v6 =	vld.idx.msk [tilespmem:v19+s12+$0x0], $0xffff;
	v45 =	vor.u32 s26, v41;
	_ =	sdelay $0x1  }
0x2b1: {  	[tilespmem:v53+s22+$0x0] =	vst.idx.msk $0xffff, v20  }
0x2b2: {  	[tilespmem:v35+s22+$0x0] =	vst.idx.msk $0xffff, v23  }
0x2b3: {  	v38 =	vor.u32 v42, v5;
	[tilespmem:v27+s22+$0x0] =	vst.idx.msk $0xffff, v26  }
0x2b4: {  	v28 =	vor.u32 v42, v4;
	v20 =	vld.idx.msk [tilespmem:v57+s12+$0x0], $0xffff;
	[tilespmem:v45+s22+$0x0] =	vst.idx.msk $0xffff, v6  }
0x2b5: {  	v19 =	vor.u32 v63, v3;
	v49 =	vor.u32 s25, v41;
	v53 =	vld [tilespmem:$0x1FEA0]  }
0x2b6: {  	v50 =	vor.u32 v63, v46;
	_ =	sdelay $0x1  }
0x2b7: {  	v23 =	vld.idx.msk [tilespmem:v38+s12+$0x0], $0xffff;
	v51 =	vor.u32 s29, v41  }
0x2b8: {  	v26 =	vld.idx.msk [tilespmem:v28+s12+$0x0], $0xffff;
	v27 =	vor.u32 s28, v41  }
0x2b9: {  	v6 =	vld.idx.msk [tilespmem:v19+s12+$0x0], $0xffff;
	[tilespmem:v49+s22+$0x0] =	vst.idx.msk $0xffff, v20;
	v57 =	vor.u32 s26, v53  }
0x2ba: {  	v20 =	vld.idx.msk [tilespmem:v50+s12+$0x0], $0xffff;
	v35 =	vor.u32 s25, v53;
	_ =	sdelay $0x1  }
0x2bb: {  	v52 =	vor.u32 v63, v5;
	[tilespmem:v51+s22+$0x0] =	vst.idx.msk $0xffff, v23  }
0x2bc: {  	v28 =	vor.u32 v63, v4;
	[tilespmem:v27+s22+$0x0] =	vst.idx.msk $0xffff, v26  }
0x2bd: {  	[tilespmem:v57+s22+$0x0] =	vst.idx.msk $0xffff, v6  }
0x2be: {  	[tilespmem:v35+s22+$0x0] =	vst.idx.msk $0xffff, v20  }
0x2bf: {  	v19 =	vor.u32 v1, v3;
	v49 =	vld [tilespmem:$0x1FEB0]  }
0x2c0: {  	v23 =	vld.idx.msk [tilespmem:v52+s12+$0x0], $0xffff;
	v41 =	vor.u32 s29, v53  }
0x2c1: {  	v26 =	vld.idx.msk [tilespmem:v28+s12+$0x0], $0xffff;
	v27 =	vor.u32 s28, v53;
	_ =	sdelay $0x2  }
0x2c2: {  	v38 =	vor.u32 v1, v46;
	v6 =	vld.idx.msk [tilespmem:v19+s12+$0x0], $0xffff;
	v50 =	vor.u32 s26, v49  }
0x2c3: {  	[tilespmem:v41+s22+$0x0] =	vst.idx.msk $0xffff, v23  }
0x2c4: {  	[tilespmem:v27+s22+$0x0] =	vst.idx.msk $0xffff, v26  }
0x2c5: {  	v45 =	vor.u32 v1, v5;
	[tilespmem:v12+s22+$0x0] =	vst.idx.msk $0xffff, v15  }
0x2c6: {  	v28 =	vor.u32 v1, v4;
	[tilespmem:v17+s22+$0x0] =	vst.idx.msk $0xffff, v14  }
0x2c7: {  	v20 =	vld.idx.msk [tilespmem:v38+s12+$0x0], $0xffff;
	[tilespmem:v50+s22+$0x0] =	vst.idx.msk $0xffff, v6  }
0x2c8: {  	v38 =	vld [tilespmem:$0x1FEC0]  }
0x2c9: {  	v19 =	vor.u32 v0, v3;
	v51 =	vor.u32 s25, v49  }
0x2ca: {  	v23 =	vld.idx.msk [tilespmem:v45+s12+$0x0], $0xffff;
	v53 =	vor.u32 s29, v49  }
0x2cb: {  	v15 =	vld.idx.msk [tilespmem:v28+s12+$0x0], $0xffff;
	v1 =	vor.u32 s28, v49;
	_ =	sdelay $0x1  }
0x2cc: {  	v35 =	vld.idx.msk [tilespmem:v18+s12+$0x0], $0xffff;
	v41 =	vor.u32 s24, v38  }
0x2cd: {  	v57 =	vor.u32 v0, v5;
	[tilespmem:v51+s22+$0x0] =	vst.idx.msk $0xffff, v20;
	v18 =	vld.idx.msk [tilespmem:v19+s12+$0x0], $0xffff;
	v19 =	vor.u32 s26, v38  }
0x2ce: {  	v28 =	vld [tilespmem:$0x1FE10];
	[tilespmem:v53+s22+$0x0] =	vst.idx.msk $0xffff, v23  }
0x2cf: {  	v52 =	vor.u32 v0, v46;
	[tilespmem:v1+s22+$0x0] =	vst.idx.msk $0xffff, v15  }
0x2d0: {  	[tilespmem:v16+s22+$0x0] =	vst.idx.msk $0xffff, v13  }
0x2d1: {  	v26 =	vor.u32 v0, v4;
	[tilespmem:v41+s22+$0x0] =	vst.idx.msk $0xffff, v35  }
0x2d2: {  	v12 =	vld.idx.msk [tilespmem:v57+s12+$0x0], $0xffff;
	[tilespmem:v19+s22+$0x0] =	vst.idx.msk $0xffff, v18  }
0x2d3: {  	v17 =	vor.u32 v28, v44;
	v57 =	vld [tilespmem:$0x1FED0]  }
0x2d4: {  	v21 =	vld.idx.msk [tilespmem:v52+s12+$0x0], $0xffff;
	v45 =	vor.u32 s25, v38;
	v20 =	vor.u32 v28, v3  }
0x2d5: {  	v51 =	vld.idx.msk [tilespmem:v10+s12+$0x0], $0xffff;
	v49 =	vor.u32 s29, v38  }
0x2d6: {  	v14 =	vld.idx.msk [tilespmem:v26+s12+$0x0], $0xffff;
	v16 =	vor.u32 s28, v38  }
0x2d7: {  	v25 =	vld [tilespmem:$0x1FE30]  }
0x2d8: {  	v17 =	vld.idx.msk [tilespmem:v17+s12+$0x0], $0xffff;
	v18 =	vor.u32 s24, v57  }
0x2d9: {  	[tilespmem:v45+s22+$0x0] =	vst.idx.msk $0xffff, v21;
	v20 =	vld.idx.msk [tilespmem:v20+s12+$0x0], $0xffff;
	v0 =	vor.u32 s26, v57  }
0x2da: {  	v24 =	vld [tilespmem:$0x1FE20];
	[tilespmem:v49+s22+$0x0] =	vst.idx.msk $0xffff, v12  }
0x2db: {  	v15 =	vor.u32 v28, v46;
	[tilespmem:v16+s22+$0x0] =	vst.idx.msk $0xffff, v14  }
0x2dc: {  	v50 =	vor.u32 v28, v5;
	[tilespmem:v11+s22+$0x0] =	vst.idx.msk $0xffff, v51  }
0x2dd: {  	v52 =	vor.u32 v28, v4;
	[tilespmem:v18+s22+$0x0] =	vst.idx.msk $0xffff, v17  }
0x2de: {  	v53 =	vor.u32 v25, v39;
	v23 =	vld [tilespmem:$0x1FEF0];
	[tilespmem:v0+s22+$0x0] =	vst.idx.msk $0xffff, v20  }
0x2df: {  	v19 =	vor.u32 v24, v44;
	v45 =	vld [tilespmem:$0x1FEE0]  }
0x2e0: {  	v15 =	vld.idx.msk [tilespmem:v15+s12+$0x0], $0xffff;
	v26 =	vor.u32 s25, v57;
	v1 =	vor.u32 v24, v3  }
0x2e1: {  	v13 =	vld.idx.msk [tilespmem:v50+s12+$0x0], $0xffff;
	v16 =	vor.u32 s29, v57;
	v35 =	vor.u32 v24, v46  }
0x2e2: {  	v9 =	vld.idx.msk [tilespmem:v52+s12+$0x0], $0xffff;
	v41 =	vor.u32 s28, v57;
	v38 =	vor.u32 v24, v5  }
0x2e3: {  	v10 =	vld.idx.msk [tilespmem:v53+s12+$0x0], $0xffff;
	v17 =	vor.u32 s23, v23  }
0x2e4: {  	v18 =	vor.u32 v24, v4;
	v19 =	vld.idx.msk [tilespmem:v19+s12+$0x0], $0xffff;
	v20 =	vor.u32 s24, v45  }
0x2e5: {  	[tilespmem:v26+s22+$0x0] =	vst.idx.msk $0xffff, v15;
	v15 =	vor.u32 v25, v44;
	v12 =	vld.idx.msk [tilespmem:v1+s12+$0x0], $0xffff;
	v49 =	vor.u32 s26, v45  }
0x2e6: {  	[tilespmem:v16+s22+$0x0] =	vst.idx.msk $0xffff, v13;
	v14 =	vld.idx.msk [tilespmem:v35+s12+$0x0], $0xffff;
	v16 =	vor.u32 s25, v45  }
0x2e7: {  	[tilespmem:v41+s22+$0x0] =	vst.idx.msk $0xffff, v9;
	v6 =	vld.idx.msk [tilespmem:v38+s12+$0x0], $0xffff;
	v0 =	vor.u32 s29, v45  }
0x2e8: {  	v24 =	vld.idx.msk [tilespmem:v31+s12+$0x0], $0xffff;
	[tilespmem:v17+s22+$0x0] =	vst.idx.msk $0xffff, v10  }
0x2e9: {  	v18 =	vld.idx.msk [tilespmem:v18+s12+$0x0], $0xffff;
	v17 =	vor.u32 s28, v45;
	[tilespmem:v20+s22+$0x0] =	vst.idx.msk $0xffff, v19  }
0x2ea: {  	[tilespmem:v49+s22+$0x0] =	vst.idx.msk $0xffff, v12;
	v20 =	vor.u32 s24, v23;
	v15 =	vld.idx.msk [tilespmem:v15+s12+$0x0], $0xffff  }
0x2eb: {  	v52 =	vld [tilespmem:$0x1FFA0];
	[tilespmem:v16+s22+$0x0] =	vst.idx.msk $0xffff, v14  }
0x2ec: {  	v50 =	vor.u32 v25, v3;
	[tilespmem:v0+s22+$0x0] =	vst.idx.msk $0xffff, v6  }
0x2ed: {  	v57 =	vor.u32 v25, v46;
	[tilespmem:v8+s22+$0x0] =	vst.idx.msk $0xffff, v24  }
0x2ee: {  	v1 =	vor.u32 v25, v5;
	[tilespmem:v17+s22+$0x0] =	vst.idx.msk $0xffff, v18  }
0x2ef: {  	v19 =	vor.u32 v25, v4;
	[tilespmem:v20+s22+$0x0] =	vst.idx.msk $0xffff, v15  }
0x2f0: {  	v25 =	vor.u32 v52, v39;
	v21 =	vld [tilespmem:$0x1FF00]  }
0x2f1: {  	v13 =	vld.idx.msk [tilespmem:v50+s12+$0x0], $0xffff;
	v16 =	vor.u32 s26, v23;
	v26 =	vor.u32 v52, v44  }
0x2f2: {  	v38 =	vor.u32 s25, v23;
	v9 =	vld.idx.msk [tilespmem:v57+s12+$0x0], $0xffff  }
0x2f3: {  	v10 =	vld.idx.msk [tilespmem:v1+s12+$0x0], $0xffff;
	v18 =	vor.u32 s29, v23  }
0x2f4: {  	v45 =	vld.idx.msk [tilespmem:v19+s12+$0x0], $0xffff;
	v19 =	vor.u32 s28, v23  }
0x2f5: {  	v12 =	vld.idx.msk [tilespmem:v25+s12+$0x0], $0xffff;
	v15 =	vor.u32 s23, v21  }
0x2f6: {  	[tilespmem:v16+s22+$0x0] =	vst.idx.msk $0xffff, v13;
	v14 =	vld.idx.msk [tilespmem:v26+s12+$0x0], $0xffff;
	v16 =	vor.u32 s24, v21  }
0x2f7: {  	[tilespmem:v38+s22+$0x0] =	vst.idx.msk $0xffff, v9  }
0x2f8: {  	v35 =	vor.u32 v52, v3;
	[tilespmem:v18+s22+$0x0] =	vst.idx.msk $0xffff, v10  }
0x2f9: {  	v17 =	vor.u32 v52, v46;
	[tilespmem:v19+s22+$0x0] =	vst.idx.msk $0xffff, v45  }
0x2fa: {  	v41 =	vor.u32 v52, v5;
	[tilespmem:v15+s22+$0x0] =	vst.idx.msk $0xffff, v12  }
0x2fb: {  	v20 =	vor.u32 v52, v4;
	[tilespmem:v16+s22+$0x0] =	vst.idx.msk $0xffff, v14  }
0x2fc: {  	v49 =	vor.u32 v2, v39;
	v0 =	vld [tilespmem:$0x1FF10]  }
0x2fd: {  	v50 =	vor.u32 v2, v44;
	v6 =	vld.idx.msk [tilespmem:v35+s12+$0x0], $0xffff;
	v51 =	vor.u32 s26, v21  }
0x2fe: {  	v17 =	vld.idx.msk [tilespmem:v17+s12+$0x0], $0xffff;
	v18 =	vor.u32 s25, v21  }
0x2ff: {  	v7 =	vld.idx.msk [tilespmem:v41+s12+$0x0], $0xffff;
	v19 =	vor.u32 s29, v21  }
0x300: {  	v53 =	vor.u32 v2, v46;
	v15 =	vld.idx.msk [tilespmem:v20+s12+$0x0], $0xffff;
	v20 =	vor.u32 s28, v21  }
0x301: {  	v57 =	vor.u32 v2, v5;
	v52 =	vor.u32 v2, v3;
	v13 =	vld.idx.msk [tilespmem:v49+s12+$0x0], $0xffff;
	v1 =	vor.u32 s23, v0  }
0x302: {  	v16 =	vor.u32 v2, v4;
	v9 =	vld.idx.msk [tilespmem:v50+s12+$0x0], $0xffff;
	[tilespmem:v51+s22+$0x0] =	vst.idx.msk $0xffff, v6;
	v2 =	vor.u32 s24, v0  }
0x303: {  	v26 =	vld [tilespmem:$0x1FF90];
	[tilespmem:v18+s22+$0x0] =	vst.idx.msk $0xffff, v17  }
0x304: {  	[tilespmem:v19+s22+$0x0] =	vst.idx.msk $0xffff, v7  }
0x305: {  	[tilespmem:v20+s22+$0x0] =	vst.idx.msk $0xffff, v15  }
0x306: {  	[tilespmem:v1+s22+$0x0] =	vst.idx.msk $0xffff, v13  }
0x307: {  	[tilespmem:v2+s22+$0x0] =	vst.idx.msk $0xffff, v9  }
0x308: {  	v24 =	vor.u32 v26, v39;
	v22 =	vld [tilespmem:$0x1FF20]  }
0x309: {  	v10 =	vld.idx.msk [tilespmem:v52+s12+$0x0], $0xffff;
	v18 =	vor.u32 s26, v0;
	v17 =	vor.u32 v26, v44  }
0x30a: {  	v8 =	vld.idx.msk [tilespmem:v53+s12+$0x0], $0xffff;
	v25 =	vor.u32 s25, v0  }
0x30b: {  	v12 =	vld.idx.msk [tilespmem:v57+s12+$0x0], $0xffff;
	v20 =	vor.u32 s29, v0  }
0x30c: {  	v35 =	vld.idx.msk [tilespmem:v16+s12+$0x0], $0xffff;
	v38 =	vor.u32 s28, v0  }
0x30d: {  	v41 =	vld.idx.msk [tilespmem:v24+s12+$0x0], $0xffff;
	v45 =	vor.u32 s23, v22  }
0x30e: {  	[tilespmem:v18+s22+$0x0] =	vst.idx.msk $0xffff, v10;
	v17 =	vld.idx.msk [tilespmem:v17+s12+$0x0], $0xffff;
	v50 =	vor.u32 s24, v22  }
0x30f: {  	v51 =	vld [tilespmem:$0x1FE50];
	[tilespmem:v25+s22+$0x0] =	vst.idx.msk $0xffff, v8  }
0x310: {  	v19 =	vor.u32 v26, v3;
	[tilespmem:v20+s22+$0x0] =	vst.idx.msk $0xffff, v12  }
0x311: {  	v15 =	vor.u32 v26, v46;
	[tilespmem:v38+s22+$0x0] =	vst.idx.msk $0xffff, v35  }
0x312: {  	v16 =	vor.u32 v26, v5;
	[tilespmem:v45+s22+$0x0] =	vst.idx.msk $0xffff, v41  }
0x313: {  	v49 =	vor.u32 v26, v4;
	[tilespmem:v50+s22+$0x0] =	vst.idx.msk $0xffff, v17  }
0x314: {  	v18 =	vor.u32 v51, v39;
	v41 =	vld [tilespmem:$0x1FF40]  }
0x315: {  	v53 =	vld.idx.msk [tilespmem:v19+s12+$0x0], $0xffff;
	v19 =	vor.u32 s26, v22;
	v52 =	vor.u32 v51, v44  }
0x316: {  	v15 =	vld.idx.msk [tilespmem:v15+s12+$0x0], $0xffff;
	v57 =	vor.u32 s25, v22  }
0x317: {  	v23 =	vld.idx.msk [tilespmem:v16+s12+$0x0], $0xffff;
	v16 =	vor.u32 s29, v22  }
0x318: {  	v11 =	vld.idx.msk [tilespmem:v49+s12+$0x0], $0xffff;
	v35 =	vor.u32 s28, v22  }
0x319: {  	v18 =	vld.idx.msk [tilespmem:v18+s12+$0x0], $0xffff;
	v45 =	vor.u32 s23, v41  }
0x31a: {  	[tilespmem:v19+s22+$0x0] =	vst.idx.msk $0xffff, v53;
	v7 =	vld.idx.msk [tilespmem:v52+s12+$0x0], $0xffff;
	v49 =	vor.u32 s24, v41  }
0x31b: {  	v50 =	vld [tilespmem:$0x1FF60];
	[tilespmem:v57+s22+$0x0] =	vst.idx.msk $0xffff, v15  }
0x31c: {  	v20 =	vor.u32 v51, v3;
	[tilespmem:v16+s22+$0x0] =	vst.idx.msk $0xffff, v23  }
0x31d: {  	v13 =	vor.u32 v51, v46;
	[tilespmem:v35+s22+$0x0] =	vst.idx.msk $0xffff, v11  }
0x31e: {  	v38 =	vor.u32 v51, v5;
	[tilespmem:v45+s22+$0x0] =	vst.idx.msk $0xffff, v18  }
0x31f: {  	v17 =	vor.u32 v51, v4;
	[tilespmem:v49+s22+$0x0] =	vst.idx.msk $0xffff, v7  }
0x320: {  	v51 =	vor.u32 v50, v39;
	v45 =	vld [tilespmem:$0x1FF30]  }
0x321: {  	v53 =	vld.idx.msk [tilespmem:v20+s12+$0x0], $0xffff;
	v15 =	vor.u32 s26, v41;
	v52 =	vor.u32 v50, v44  }
0x322: {  	v13 =	vld.idx.msk [tilespmem:v13+s12+$0x0], $0xffff;
	v57 =	vor.u32 s25, v41;
	v26 =	vor.u32 v50, v3  }
0x323: {  	v38 =	vld.idx.msk [tilespmem:v38+s12+$0x0], $0xffff;
	v35 =	vor.u32 v50, v46;
	v39 =	vor.u32 s29, v41  }
0x324: {  	v11 =	vld.idx.msk [tilespmem:v17+s12+$0x0], $0xffff;
	v41 =	vor.u32 s28, v41;
	v44 =	vor.u32 v50, v5  }
0x325: {  	v49 =	vor.u32 v50, v4;
	v0 =	vld.idx.msk [tilespmem:v51+s12+$0x0], $0xffff;
	v46 =	vor.u32 s23, v45  }
0x326: {  	[tilespmem:v15+s22+$0x0] =	vst.idx.msk $0xffff, v53;
	v1 =	vld.idx.msk [tilespmem:v52+s12+$0x0], $0xffff;
	v50 =	vor.u32 s24, v45  }
0x327: {  	[tilespmem:v57+s22+$0x0] =	vst.idx.msk $0xffff, v13;
	v3 =	vld.idx.msk [tilespmem:v26+s12+$0x0], $0xffff;
	v51 =	vor.u32 s26, v45  }
0x328: {  	[tilespmem:v39+s22+$0x0] =	vst.idx.msk $0xffff, v38;
	v2 =	vld.idx.msk [tilespmem:v35+s12+$0x0], $0xffff;
	v52 =	vor.u32 s25, v45  }
0x329: {  	[tilespmem:v41+s22+$0x0] =	vst.idx.msk $0xffff, v11;
	v5 =	vld.idx.msk [tilespmem:v44+s12+$0x0], $0xffff;
	v53 =	vor.u32 s29, v45  }
0x32a: {  	v4 =	vld.idx.msk [tilespmem:v49+s12+$0x0], $0xffff;
	v57 =	vor.u32 s28, v45;
	[tilespmem:v46+s22+$0x0] =	vst.idx.msk $0xffff, v0  }
0x32b: {  	[tilespmem:v50+s22+$0x0] =	vst.idx.msk $0xffff, v1  }
0x32c: {  	p1 =	sgt.u32 s19, $0x1D;
	[tilespmem:v51+s22+$0x0] =	vst.idx.msk $0xffff, v3  }
0x32d: {  	s0 =	sadd.s32 @!p1 s30, s9;
	[tilespmem:v52+s22+$0x0] =	vst.idx.msk $0xffff, v2  }
0x32e: {  	s0 =	sshrl.u32 @!p1 s0, $0x3;
	[tilespmem:v53+s22+$0x0] =	vst.idx.msk $0xffff, v5  }
0x32f: {  	s19 =	sadd.s32 $0x1, s19;
	s7 =	simm.s32 @!p1 $0x0;
	s0 =	sadd.s32 @!p1 s5, s0;
	[tilespmem:v57+s22+$0x0] =	vst.idx.msk $0xffff, v4  }
0x330: {  	[tilespmem:s1], [sflag:s21] =	stream.linear.gather @!p1 [hbm4b:s0+s7], $0x320, $0x38;
	[tilespmem:$0x1C200] =	vst v63  }
0x331: {  	p1 =	sne.s32 s19, $0x20  }
.Ltmp1:
0x332: {  	_ = 	snop;
	(pc) =	sbr.rel @p1 .LBB2_2-.Ltmp1, $4  }
0x333: {  	_ = 	snop  }
0x334: {  	s18 =	sadd.s32 $0x320, s18;
	s30 =	sshll.u32 s31, $0x2  }
0x335: {  	p0 =	por !p0, !p0;
	s31 =	sadd.s32 $0x3, s20;
	s0 =	sadd.s32 s2, s30  }
0x336: {  	v19 =	vmov v34;
	v17 =	vmov v33;
	v18 =	vmov v37;
	[hbm4b:s0+s3] =	stream.linear.scatter [tilespmem:s22], [sflag:s31], $0x6400, $0x38;
	[tilespmem:$0x1C200] =	vst v63  }
0x337: {  	_ =	swait.ge [sflag:s15], $0x6400  }
0x338: {  	[sflag:s15] =	ssyncset.done $0x0  }
0x339: {  	[sflag:s15] =	ssyncadd.s32 $0xFFFF9C00  }
0x33a: {  	_ =	swait.ge [sflag:s16], $0x6400  }
0x33b: {  	s17 =	sadd.s32 $0x1, s17;
	s0 =	rddreg [dreg:$0x5]  }
0x33c: {  	p0 =	sne.s32 s17, s0  }
.Ltmp2:
0x33d: {  	_ = 	snop;
	(pc) =	sbr.rel @p0 .LBB2_1-.Ltmp2, $3  }
0x33e: {  	_ =	sdelay $0x1  }
0x33f: {  	[sflag:s16] =	ssyncset.done $0x0  }
0x340: {  	[sflag:s16] =	ssyncadd.s32 $0xFFFF9C00  }
0x341: {  	_ =	sfence.sel $0x180000  }
0x342: {  	[bflag:$0x0] =	sbarrier.arrive $0xFFFF  }
0x343: {  	_ =	strace $0x90000047  }
0x344: {  	s0 =	stileid.u32;
	[bflag:$0x2] =	sbarrier.arrive $0xFFFF  }
0x345: {  	p0 =	sne.s32 s0, $0x0;
	s0 =	rddreg [dreg:$0x2]  }
0x346: {  	s0 =	sadd.s32 @!p0 $0x100000, s0  }
0x347: {  	[sflag:s0] =	ssyncadd.tile.s32 @!p0 $0x1;
	_ =	shalt  }
.Lfunc_end2:
_tile_overlayer_lowered:
.L_overlay_start_2:
0x348: {  	(tag) =	ssettag $0x2  }
0x349: {  	s0 =	rddreg [dreg:$0x0];
	s2 =	stileid.u32  }
0x34a: {  	s1 =	rddreg [dreg:$0x1];
	p0 =	sne.s32 s2, $0x0  }
0x34b: {  	s3 =	rddreg [dreg:$0x2];
	[bflag:$0x3] =	sbarrier.arrive $0xFFFF;
	s2 =	simm.s32 @!p0 $0x1C05  }
0x34c: {  	[timem:s3], [sflag:s2] =	dma.local @!p0 [hbm:s0], s1  }
0x34d: {  	s0 =	simm.s32 @!p0 $0x5  }
0x34e: {  	_ =	swait.ge @!p0 [sflag:s0], s1  }
0x34f: {  	s1 =	ssub.s32 @!p0 $0x0, s1;
	[sflag:s0] =	ssyncset.done @!p0 $0x0  }
0x350: {  	[sflag:s0] =	ssyncadd.s32 @!p0 s1  }
0x351: {  	[bflag:$0x3] =	sbarrier.arrive $0xFFFF  }
0x352: {  	_ =	shalt  }

// kernel: sparse-core-data-format-call.cloned.1.call-start
scs
called_computation_lowered:
.L_overlay_start_0:
0x0: {  	s2 =	sld [smem:$0x3FD9]  }
0x1: {  	s3 =	sld [smem:$0x3FFE];
	_ =	sdelay $0x1  }
0x2: {  	s1 =	srdreg.scid  }
0x3: {  	s0 =	sand.u32 $0x1, s1  }
0x4: {  	s18 =	sshll.u32 s0, $0xA;
	s2 =	sadd.s32 s3, s2  }
0x5: {  	s2 =	sadd.s32 s2, s18  }
0x6: {  	[smem:$0x3FC5] =	sst s2  }
0x7: {  	_ = 	snop  }
0x8: {  	s2 =	sld [smem:$0x3FD0];
	(tm) =	ssettm $0x1  }
0x9: {  	s19 =	sld [smem:$0x3FFB];
	_ =	sdelay $0x3  }
0xa: {  	_ =	strace s19  }
0xb: {  	s3 =	sld [smem:$0x3FFC];
	_ =	sdelay $0x3  }
0xc: {  	_ =	strace s3  }
0xd: {  	s3 =	sld [smem:$0x3FFD];
	_ =	sdelay $0x3  }
0xe: {  	_ =	strace s3  }
0xf: {  	_ =	strace $0x8FFFFFFF  }
0x10: {  	s20 =	sld [smem:$0x3FDB];
	_ =	sdelay $0x1  }
0x11: {  	s4 =	simm.s32 $_scs_section_size  }
0x12: {  	s5 =	simm.s32 $_size__tile_overlayer_lowered;
	s6 =	simm.s32 $_tile_overlayer_lowered  }
0x13: {  	s23 =	simm.s32 $0x1BFF;
	s22 =	sshll.u32 s6, $0x1;
	s3 =	sadd.s32 s4, s20  }
0x14: {  	s7 =	simm.s32 $0x0;
	s21 =	sshll.u32 s5, $0x1;
	s5 =	sadd.s32 s22, s3  }
0x15: {  	[timem:s7], [sflag:s23] =	dma.local [hbm:s5], s21  }
0x16: {  	_ =	swait.ge [sflag:s23], s21  }
0x17: {  	s4 =	ssub.s32 $0x0, s21;
	[sflag:s23] =	ssyncset.done $0x0  }
0x18: {  	[sflag:s23] =	ssyncadd.s32 s4;
	_ =	sdelay $0x1  }
0x19: {  	s24 =	simm.s32 $0x1B8B  }
0x1a: {  	_ =	swait.ge [sflag:s24], $0x1  }
0x1b: {  	[sflag:s24] =	ssyncset.done $0x0  }
0x1c: {  	s26 =	simm.s32 $0x1B8E;
	s25 =	sld [smem:$0x3FFE];
	[sflag:s24] =	ssyncadd.s32 $0xFFFFFFFF  }
0x1d: {  	s27 =	simm.s32 $execute0_lowered;
	[smem:$0x3FD2] =	sst s26  }
0x1e: {  	s5 =	sshll.u32 s27, $0x1;
	_ =	strace $0x80000049;
	[dreg:$0x1] =	wrdreg $0xFFFFFFFF  }
0x1f: {  	s28 =	simm.s32 $_size_execute0_lowered;
	s3 =	sadd.s32 s3, s5;
	[dreg:$0x0] =	wrdreg $0x0  }
0x20: {  	s5 =	sshll.u32 s28, $0x1;
	[dreg:$0x2] =	wrdreg s3  }
0x21: {  	[dreg:$0x3] =	wrdreg s5  }
0x22: {  	[dreg:$0x4] =	wrdreg $0xC0  }
0x23: {  	_ =	task [dreg:s7], $0x5FFFF  }
0x24: {  	[dreg:$0x1] =	wrdreg $0xFFFFFFFF  }
0x25: {  	[dreg:$0x0] =	wrdreg $0x60  }
0x26: {  	[dreg:$0x2] =	wrdreg s25  }
0x27: {  	[dreg:$0x3] =	wrdreg s2  }
0x28: {  	[dreg:$0x4] =	wrdreg $0x9  }
0x29: {  	_ =	task.clear_ibuf [dreg:s7], $0x5FFFF;
	_ =	strace $0x90000049  }
0x2a: {  	s29 =	simm.s32 $0x9;
	_ =	strace $0x8000004B  }
0x2b: {  	_ =	swait.ge [sflag:s29], $0x1  }
0x2c: {  	[sflag:s29] =	ssyncadd.s32 $0xFFFFFFFF  }
0x2d: {  	_ =	strace $0x9000004B  }
0x2e: {  	_ =	sfence  }
0x2f: {  	s30 =	sld [smem:$0x0];
	_ =	sdelay $0x2  }
0x30: {  	s31 =	sshll.u32 s1, $0xD;
	s1 =	sshrl.u32 s1, $0x2  }
0x31: {  	s3 =	sand.u32 $0x4000, s31;
	s1 =	sadd.s32 s1, s30  }
0x32: {  	s0 =	sor.u32 s3, s0;
	s1 =	sshll.u32 s1, $0x11  }
0x33: {  	s0 =	sor.u32 s1, s0  }
0x34: {  	s0 =	sadd.s32 $0x8F2B, s0  }
0x35: {  	[sflag:s0] =	ssyncadd.remote.s32 $0x1  }
0x36: {  	_ =	sfence.sel $0xFFFF  }
0x37: {  	[dreg:$0x0] =	wrdreg $0xFFFFFFFF;
	(pc) =	sbr.abs _section_cstart, $3  }
0x38: {  	[dreg:$0x1] =	wrdreg $0xFFFFFFFF  }
0x39: {  	_ =	task.clear_ibuf [dreg:s7], $0x2FFFF;
	_ =	strace $0x9FFFFFFF  }
0x3a: {  	(tm) =	ssettm $0x7FFFFFFF  }
0x3b: {  	_ =	shalt  }
tec
execute0_lowered:
.L_overlay_start_1:
0x0: {  	(tag) =	ssettag $0x1  }
0x1: {  	s0 =	srdreg.scid  }
0x2: {  	s1 =	sshll.u32 s0, $0x4  }
0x3: {  	s0 =	stileid.u32;
	s1 =	sand.u32 $0x10, s1  }
0x4: {  	s1 =	sor.u32 s0, s1  }
0x5: {  	s6 =	rddreg [dreg:$0x0];
	s4 =	simm.s32 $0x1;
	s2 =	sshll.u32 s1, $0x7  }
0x6: {  	s7 =	simm.s32 $0x2;
	s12 =	simm.s32 $0x0;
	s1 =	ssub.s32 $0x4000, s2  }
0x7: {  	s8 =	simm.s32 $0x20000;
	s13 =	simm.s32 $0x0;
	s3 =	sand.u32 $0xF80, s1  }
0x8: {  	s9 =	simm.s32 $0x0;
	s5 =	sshrl.u32 s1, $0xC;
	p0 =	sne.s32 s3, $0x0  }
.Ltmp0:
0x9: {  	s1 =	rddreg [dreg:$0x2];
	s4 =	simm.s32 @!p0 $0x0;
	(pc) =	sbr.rel .LBB1_1-.Ltmp0, $4  }
0xa: {  	s11 =	simm.s32 $0x0;
	s3 =	rddreg [dreg:$0x1];
	s5 =	sadd.s32 s4, s5  }
0xb: {  	_ =	strace $0x8000004A;
	s4 =	simm.s32 $0x1;
	s5 =	smul.u32 $0x32, s5  }
0xc: {  	s6 =	sadd.s32 $0x800, s6;
	s10 =	smov.u32 s2;
	[sflag:s4] =	ssyncpa.u1 $0x0  }
0xd: {  	p0 =	por $0x0, $0x0;
	[sflag:s7] =	ssyncpa.u1 $0x0;
	s7 =	sor.u32 $0x1, s5  }
.LBB1_4:
0xe: {  	s16 =	sshll.u32 s13, $0x3;
	s17 =	sand.u32 $0x78, s13  }
0xf: {  	s30 =	sand.u32 $0xF800, s13;
	s12 =	sshll.u32 s12, $0x10;
	s16 =	sand.u32 $0x3C00, s16  }
0x10: {  	s31 =	sand.u32 $0x7, s13;
	s16 =	sor.u32 s17, s16;
	s17 =	sadd.s32 s3, s30  }
0x11: {  	s13 =	sshll.u32 s31, $0x12;
	s16 =	sshrl.u32 s16, $0x3;
	s12 =	sadd.s32 s12, s17  }
0x12: {  	[tilespmem:s15+$0x0 ss:$0x81] =	vst.msk $0xffff, v0;
	s13 =	sor.u32 $0x400, s13;
	s12 =	sadd.s32 s16, s12  }
0x13: {  	[hbm4b:s12+s13] =	stream.strided.scatter [tilespmem:s14], [sflag:$0x2], $0x1000, s8, s13, $0x20;
	[tilespmem:$0x4040] =	vst v63  }
.LBB1_5:
0x14: {  	s14 =	sadd.s32 $0x1, s9  }
0x15: {  	s12 =	sadd.s32 $0x1000, s10;
	s16 =	smov.u32 s10;
	p2 =	sgt.s32 s14, $0x31  }
0x16: {  	s16 =	smov.u32 @p2 s12  }
0x17: {  	s14 =	simm.s32 @p2 $0x0;
	p2 =	sgt.s32 s16, $0x3FFF  }
0x18: {  	s16 =	smov.u32 @p2 s2;
	p2 =	sne.s32 s11, s7  }
.Ltmp1:
0x19: {  	p1 =	slt.u32 s11, $0x2;
	(pc) =	sbr.rel @!p2 .LBB1_6-.Ltmp1, $4  }
0x1a: {  	s15 =	simm.s32 @!p1 $0x2  }
0x1b: {  	s13 =	smov.u32 s10;
	p0 =	por !p0, !p0;
	_ =	swait.ge @!p1 [sflag:s15], $0x1000  }
0x1c: {  	s12 =	smov.u32 s9;
	[sflag:s15] =	ssyncset.done @!p1 $0x0;
	s9 =	smov.u32 s14  }
0x1d: {  	s11 =	sadd.s32 $0x1, s11;
	[sflag:s15] =	ssyncadd.s32 @!p1 $0xFFFFF000;
	s10 =	smov.u32 s16  }
.LBB1_1:
0x1e: {  	p1 =	sge.u32 s11, s5  }
0x1f: {  	s14 =	sand.u32 @!p1 $0x1FFFFFF, s9  }
0x20: {  	s15 =	smulhi.u32 @!p1 $0x4924925, s14;
	_ =	sdelay $0x1  }
0x21: {  	s15 =	smul.u32 @!p1 $0x38, s15  }
0x22: {  	s16 =	sxor.u32 @!p1 $0xFFFFFFFF, s11;
	s17 =	smul.u32 @!p1 $0x380, s10  }
0x23: {  	s31 =	sadd.s32 $0xFFFFFFFF, s11;
	s16 =	sshll.u32 @!p1 s16, $0xC;
	s14 =	ssub.s32 @!p1 s14, s15  }
0x24: {  	s15 =	sand.u32 @!p1 $0x1000, s16;
	s16 =	sadd.s32 @!p1 s6, s17;
	s14 =	sshll.u32 @!p1 s14, $0x4  }
0x25: {  	s17 =	simm.s32 @!p1 $0x1C00;
	s14 =	sadd.s32 @!p1 s14, s16;
	s16 =	simm.s32 @!p1 $0x20  }
0x26: {  	[tilespmem:s15], [sflag:$0x1] =	stream.strided.gather @!p1 [hbm4b:s14+s16], $0x1000, s17, s16, $0x38;
	[tilespmem:$0x4040] =	vst v63  }
0x27: {  	p1 =	sge.u32 s31, s5  }
.Ltmp2:
0x28: {  	_ = 	snop;
	(pc) =	sbr.rel @p1 .LBB1_5-.Ltmp2, $1  }
0x29: {  	_ =	sdelay $0x3  }
0x2a: {  	s14 =	simm.s32 $0x1  }
0x2b: {  	_ =	swait.ge [sflag:s4], $0x1000;
	s14 =	simm.s32 @!p0 $0x0  }
0x2c: {  	[sflag:s4] =	ssyncset.done $0x0;
	s15 =	sshll.u32 s14, $0xC  }
0x2d: {  	[sflag:s4] =	ssyncadd.s32 $0xFFFFF000;
	s18 =	sor.u32 $0x10, s15  }
0x2e: {  	s14 =	smul.u32 $0x4080, s14;
	v1 =	vld [tilespmem:s18+$0x0]  }
0x2f: {  	s30 =	sand.u32 $0x1, s11;
	v0 =	vld [tilespmem:s18+$0xFFFFFFF0]  }
0x30: {  	s15 =	smul.u32 $0x4080, s30;
	s14 =	sshrl.u32 s14, $0x2  }
0x31: {  	s16 =	sor.u32 $0x2000, s14  }
0x32: {  	s31 =	sshrl.u32 s15, $0x2;
	s15 =	sadd.s32 $0x0, s16  }
0x33: {  	s17 =	simm.s32 $0x4;
	s18 =	sadd.s32 $0x20, s18;
	s14 =	sor.u32 $0x2000, s31;
	[tilespmem:s15+$0x810 ss:$0x81] =	vst.msk $0xffff, v1  }
.LBB1_3:
0x34: {  	v1 =	vld [tilespmem:s18+$0x0];
	p1 =	sne.s32 s17, $0x1FC;
	[tilespmem:s15+$0x0 ss:$0x81] =	vst.msk $0xffff, v0;
	s15 =	smov.u32 s17;
	s17 =	sadd.s32 $0x4, s17  }
.Ltmp3:
0x35: {  	v0 =	vld [tilespmem:s18+$0xFFFFFFF0];
	(pc) =	sbr.rel @p1 .LBB1_3-.Ltmp3, $4  }
0x36: {  	_ = 	snop  }
0x37: {  	s15 =	sshra.s32 s15, $0x2  }
0x38: {  	s15 =	sadd.s32 s15, s16  }
0x39: {  	s18 =	sadd.s32 $0x20, s18;
	[tilespmem:s15+$0x810 ss:$0x81] =	vst.msk $0xffff, v1  }
.Ltmp4:
0x3a: {  	_ = 	snop;
	(pc) =	sbr.rel .LBB1_4-.Ltmp4, $1  }
0x3b: {  	_ =	sdelay $0x3  }
.LBB1_6:
0x3c: {  	_ =	sfence.sel $0x180000  }
0x3d: {  	s2 =	simm.s32 $0x1;
	[bflag:$0x0] =	sbarrier.arrive $0xFFFF  }
0x3e: {  	s31 =	simm.s32 $0x2;
	[sflag:s2] =	ssyncpa.u1 $0x1  }
0x3f: {  	[sflag:s31] =	ssyncpa.u1 $0x1  }
0x40: {  	p0 =	sne.s32 s0, $0x0;
	_ =	strace $0x9000004A  }
0x41: {  	s0 =	sadd.s32 @!p0 $0x100000, s1;
	[bflag:$0x2] =	sbarrier.arrive $0xFFFF  }
0x42: {  	[sflag:s0] =	ssyncadd.tile.s32 @!p0 $0x1;
	_ =	shalt  }
.Lfunc_end1:
_tile_overlayer_lowered:
.L_overlay_start_2:
0x43: {  	(tag) =	ssettag $0x2  }
0x44: {  	s0 =	rddreg [dreg:$0x0];
	s2 =	stileid.u32  }
0x45: {  	s1 =	rddreg [dreg:$0x1];
	p0 =	sne.s32 s2, $0x0  }
0x46: {  	s3 =	rddreg [dreg:$0x2];
	[bflag:$0x3] =	sbarrier.arrive $0xFFFF;
	s2 =	simm.s32 @!p0 $0x1C01  }
0x47: {  	[timem:s3], [sflag:s2] =	dma.local @!p0 [hbm:s0], s1  }
0x48: {  	s0 =	simm.s32 @!p0 $0x1  }
0x49: {  	_ =	swait.ge @!p0 [sflag:s0], s1  }
0x4a: {  	s1 =	ssub.s32 @!p0 $0x0, s1;
	[sflag:s0] =	ssyncset.done @!p0 $0x0  }
0x4b: {  	[sflag:s0] =	ssyncadd.s32 @!p0 s1  }
0x4c: {  	[bflag:$0x3] =	sbarrier.arrive $0xFFFF  }
0x4d: {  	_ =	shalt  }

</sc_bundles>
